<compile_context>
chip_gen: v7x
topology: tpu7x:2x2x1
jax: 0.10.2.dev20260603
libtpu: 0.0.44.dev20260713+nightly
codegen_flags: <defaults>
</compile_context>

<pallas_src>
import functools

import jax
import jax.numpy as jnp
from jax import lax
from jax.experimental import pallas as pl
from jax.experimental.pallas import tpu as pltpu
from jax.experimental.pallas import tpu_sc as plsc

B = 1024
F = 26
VOCAB = 1000
EMB = 128
DM = 512
NG = 13
NT = 8

NW = 32
BH = B // 2
PAIRS = BH * NG
NROWS = 2 * PAIRS
RW = NROWS // NW
CR = 104
NCHUNK = RW // CR


def _sc_gather(table, allidx):
    mesh = plsc.VectorSubcoreMesh(core_axis_name="c", subcore_axis_name="s")

    @functools.partial(
        pl.kernel,
        mesh=mesh,
        out_type=jax.ShapeDtypeStruct((NROWS, EMB), jnp.float32),
        scratch_types=[
            pltpu.VMEM((CR,), jnp.int32),
            pltpu.VMEM((CR,), jnp.int32),
            pltpu.VMEM((CR, EMB), jnp.float32),
            pltpu.VMEM((CR, EMB), jnp.float32),
            pltpu.SemaphoreType.DMA,
            pltpu.SemaphoreType.DMA,
            pltpu.SemaphoreType.DMA,
            pltpu.SemaphoreType.DMA,
        ],
    )
    def k(table_h, idx_h, out_h, idx_v0, idx_v1, buf_v0, buf_v1,
          semg0, semg1, semo0, semo1):
        wid = lax.axis_index("s") * 2 + lax.axis_index("c")
        idx_v = (idx_v0, idx_v1)
        buf_v = (buf_v0, buf_v1)
        semg = (semg0, semg1)
        semo = (semo0, semo1)

        def stage(ci):
            b = ci % 2
            rbase = wid * RW + ci * CR
            pltpu.sync_copy(idx_h.at[pl.ds(rbase, CR)], idx_v[b])
            return pltpu.async_copy(table_h.at[idx_v[b]], buf_v[b], semg[b])

        gcp = stage(0)
        outcp = [None, None]
        for ci in range(NCHUNK):
            b = ci % 2
            cur = gcp
            if ci + 1 < NCHUNK:
                nb = (ci + 1) % 2
                if outcp[nb] is not None:
                    outcp[nb].wait()
                gcp = stage(ci + 1)
            cur.wait()
            rbase = wid * RW + ci * CR
            outcp[b] = pltpu.async_copy(buf_v[b], out_h.at[pl.ds(rbase, CR)],
                                        semo[b])
        if outcp[NCHUNK % 2] is not None:
            outcp[NCHUNK % 2].wait()
        outcp[(NCHUNK - 1) % 2].wait()

    return k(table, allidx)


BT = 128


def _silu(x):
    return x / (1.0 + jnp.exp(-x))


def _tc_body(x4, mf, me2, w1, b1, g1, be1, rms3, w2, b2, g2, be2, outr, hbuf):
    ss = jnp.zeros((BT, 1), jnp.float32)
    w1v = w1[...]
    miss = jnp.dot(mf[...], me2[...], preferred_element_type=jnp.float32)
    for g in range(NG):
        xg = ((x4[0, g] + x4[1, g]).astype(jnp.float32) * 0.5
              + miss[:, g * EMB:(g + 1) * EMB])
        h = jnp.dot(xg.astype(jnp.bfloat16), w1v,
                    preferred_element_type=jnp.float32)
        h = _silu(h + b1[...])
        mu = jnp.mean(h, axis=1, keepdims=True)
        hc = h - mu
        var = jnp.mean(hc * hc, axis=1, keepdims=True)
        h = hc * lax.rsqrt(var + 1e-5) * g1[...] + be1[...]
        ss = ss + jnp.sum(h * h, axis=1, keepdims=True)
        hbuf[:, pl.ds(g * DM, DM)] = (h * rms3[g]).astype(jnp.bfloat16)
    inv = lax.rsqrt(ss * (1.0 / (NG * DM)) + 1e-6)
    y = jnp.dot(hbuf[...], w2[...], preferred_element_type=jnp.float32) * inv
    y = _silu(y + b2[...])
    mu = jnp.mean(y, axis=1, keepdims=True)
    yc = y - mu
    var = jnp.mean(yc * yc, axis=1, keepdims=True)
    outr[...] = yc * lax.rsqrt(var + 1e-5) * g2[...] + be2[...]


def _tc_call(x4, mf, me2, w1, b1, g1, be1, rms3, w2bf, b2, g2, be2):
    return pl.pallas_call(
        _tc_body,
        grid=(BH // BT,),
        in_specs=[
            pl.BlockSpec((2, NG, BT, EMB), lambda i: (0, 0, i, 0)),
            pl.BlockSpec((BT, F), lambda i: (i, 0)),
            pl.BlockSpec((F, NG * EMB), lambda i: (0, 0)),
            pl.BlockSpec((EMB, DM), lambda i: (0, 0)),
            pl.BlockSpec((1, DM), lambda i: (0, 0)),
            pl.BlockSpec((1, DM), lambda i: (0, 0)),
            pl.BlockSpec((1, DM), lambda i: (0, 0)),
            pl.BlockSpec((NG, 1, DM), lambda i: (0, 0, 0)),
            pl.BlockSpec((NG * DM, NT * DM), lambda i: (0, 0)),
            pl.BlockSpec((1, NT * DM), lambda i: (0, 0)),
            pl.BlockSpec((1, NT * DM), lambda i: (0, 0)),
            pl.BlockSpec((1, NT * DM), lambda i: (0, 0)),
        ],
        out_specs=pl.BlockSpec((BT, NT * DM), lambda i: (i, 0)),
        out_shape=jax.ShapeDtypeStruct((BH, NT * DM), jnp.float32),
        scratch_shapes=[pltpu.VMEM((BT, NG * DM), jnp.bfloat16)],
        compiler_params=pltpu.CompilerParams(vmem_limit_bytes=100 * 1024 * 1024),
    )(x4, mf, me2, w1, b1, g1, be1, rms3, w2bf, b2, g2, be2)


def kernel(int_feats, missing_mask, table, missing_emb, W1, b1, ln1_g, ln1_b,
           rms_s, W2, b2, ln2_g, ln2_b):
    offs = (jnp.arange(F, dtype=jnp.int32) * VOCAB)[None, :]
    idx = int_feats.astype(jnp.int32) + offs
    mf = missing_mask.astype(jnp.float32)
    onehot = (jnp.arange(NG)[None, :] == (jnp.arange(F) // 2)[:, None])
    me2 = (onehot.astype(jnp.float32)[:, :, None]
           * missing_emb[:, None, :]).reshape(F, NG * EMB) * 0.5
    w2bf = W2.astype(jnp.bfloat16)
    w1bf = W1.astype(jnp.bfloat16)
    smalls = (b1.reshape(1, DM), ln1_g.reshape(1, DM), ln1_b.reshape(1, DM),
              rms_s.reshape(NG, 1, DM))
    tails = (b2.reshape(1, NT * DM), ln2_g.reshape(1, NT * DM),
             ln2_b.reshape(1, NT * DM))

    outs = []
    for h in range(2):
        idx_h = idx[h * BH:(h + 1) * BH]
        allidx = jnp.concatenate(
            [idx_h[:, 0::2].T.reshape(-1), idx_h[:, 1::2].T.reshape(-1)])
        rows = _sc_gather(table, allidx)
        x4 = rows.reshape(2, NG, BH, EMB).astype(jnp.bfloat16)
        outs.append(_tc_call(
            x4, mf[h * BH:(h + 1) * BH], me2, w1bf, *smalls, w2bf, *tails))
    return jnp.concatenate(outs, axis=0).reshape(B, NT, DM)

# --- scband reference (transcript-rebuilt; emitter-appended) ---
"""Pipeline reference for scband-v2-grouped-sparse-tokenizer-44427141710615 (READ-ONLY COPY).

The authoritative reference and input builder live on the scoring server;
editing this copy changes nothing except your own understanding.
"""

import jax, jax.numpy as jnp
import numpy as np

B = 1024
F = 26
VOCAB = 1000
EMB = 128
DM = 512
NG = 13
NT = 8
GROUPS = [[2 * i, 2 * i + 1] for i in range(NG)]


def _silu(x):
    return x * jax.nn.sigmoid(x)


def _layernorm(x, g, b, eps=1e-5):
    mu = jnp.mean(x, axis=-1, keepdims=True)
    var = jnp.var(x, axis=-1, keepdims=True)
    return (x - mu) / jnp.sqrt(var + eps) * g + b


def _rmsnorm(x, s, eps=1e-6):
    return x * jax.lax.rsqrt(jnp.mean(x * x, axis=-1, keepdims=True) + eps) * s


def setup_inputs(seed: int = 0):
    key = jax.random.key(seed)
    ks = jax.random.split(key, 8)
    int_feats = jax.random.randint(ks[0], (B, F), 0, VOCAB)
    missing_mask = jax.random.randint(ks[1], (B, F), 0, 2) > 0
    table = jax.random.normal(ks[2], (F * VOCAB, EMB), dtype=jnp.float32) * 0.02
    missing_emb = jax.random.normal(ks[3], (F, EMB), dtype=jnp.float32) * 0.02
    W1 = jax.random.normal(ks[4], (EMB, DM), dtype=jnp.float32) * (1.0 / np.sqrt(EMB))
    b1 = jnp.zeros((DM,), jnp.float32)
    ln1_g = jnp.ones((DM,), jnp.float32)
    ln1_b = jnp.zeros((DM,), jnp.float32)
    rms_s = jnp.ones((DM * NG,), jnp.float32)
    W2 = jax.random.normal(ks[5], (DM * NG, NT * DM), dtype=jnp.float32) * (1.0 / np.sqrt(DM * NG))
    b2 = jnp.zeros((NT * DM,), jnp.float32)
    ln2_g = jnp.ones((NT * DM,), jnp.float32)
    ln2_b = jnp.zeros((NT * DM,), jnp.float32)
    return {"int_feats": int_feats, "missing_mask": missing_mask, "table": table,
            "missing_emb": missing_emb, "W1": W1, "b1": b1, "ln1_g": ln1_g, "ln1_b": ln1_b,
            "rms_s": rms_s, "W2": W2, "b2": b2, "ln2_g": ln2_g, "ln2_b": ln2_b}


def reference(int_feats, missing_mask, table, missing_emb, W1, b1, ln1_g, ln1_b, rms_s, W2, b2, ln2_g, ln2_b):
    # FeatureEmbeddingBank: per-feature embedding lookup via one flat offset table
    offsets = jnp.arange(F, dtype=int_feats.dtype) * VOCAB
    feat_tok = jnp.take(table, int_feats + offsets[None, :], axis=0)  # [B, F, EMB]
    # missing-embedding additive correction
    mask = missing_mask.astype(feat_tok.dtype)
    feat_tok = feat_tok + mask[:, :, None] * missing_emb[None, :, :]
    # per-group mean pooling over feature tokens
    pieces = [jnp.mean(jnp.take(feat_tok, jnp.asarray(g), axis=1), axis=1) for g in GROUPS]
    gt = jnp.stack(pieces, axis=1)  # [B, NG, EMB]
    # group_project: Linear -> SiLU -> LayerNorm
    gt = _layernorm(_silu(gt @ W1 + b1[None, None, :]), ln1_g, ln1_b)
    # compress_project: RMSNorm -> Linear -> SiLU -> LayerNorm
    flat = gt.reshape(gt.shape[0], -1)  # [B, NG*DM]
    out = _layernorm(_silu(_rmsnorm(flat, rms_s) @ W2 + b2[None, :]), ln2_g, ln2_b)
    return out.reshape(gt.shape[0], NT, DM)

if __name__ == "__main__":
    import jax
    _d = setup_inputs()
    print(jax.jit(kernel)(*tuple(_d.values())))

</pallas_src>

<mosaic_0001>
#map = affine_map<(d0, d1) -> (0, 0)>
#map1 = affine_map<(d0, d1) -> (0)>
module attributes {stable_mosaic.version = 14 : i64} {
  func.func @k(%arg0: i32, %arg1: i32, %arg2: memref<26000x128xf32, #tpu.memory_space<hbm>>, %arg3: memref<13312xi32, #tpu.memory_space<hbm>>, %arg4: memref<13312x128xf32, #tpu.memory_space<hbm>>, %arg5: memref<104xi32, #tpu.memory_space<vmem>>, %arg6: memref<104xi32, #tpu.memory_space<vmem>>, %arg7: memref<104x128xf32, #tpu.memory_space<vmem>>, %arg8: memref<104x128xf32, #tpu.memory_space<vmem>>, %arg9: memref<!tpu.dma_semaphore, #tpu.memory_space<semaphore_mem>>, %arg10: memref<!tpu.dma_semaphore, #tpu.memory_space<semaphore_mem>>, %arg11: memref<!tpu.dma_semaphore, #tpu.memory_space<semaphore_mem>>, %arg12: memref<!tpu.dma_semaphore, #tpu.memory_space<semaphore_mem>>) attributes {dimension_semantics = [#tpu.dimension_semantics<core_parallel>, #tpu.dimension_semantics<subcore_parallel>], iteration_bounds = array<i64: 2, 16>, scalar_prefetch = 0 : i64, scratch_operands = 8 : i64, tpu.core_type = #tpu.core_type<sc_vector_subcore>, window_params = [{transform_indices = #map}, {transform_indices = #map1}, {transform_indices = #map}]} {
    %mul3A = arith.constant 2 : i32
    %mul3A_0 = arith.muli %arg1, %mul3A : i32
    %add3A = arith.addi %mul3A_0, %arg0 : i32
    %mul3A_1 = arith.constant 416 : i32
    %mul3A_2 = arith.muli %add3A, %mul3A_1 : i32
    %add3A_3 = arith.constant 0 : i32
    %add3A_4 = arith.addi %mul3A_2, %add3A_3 : i32
    "tpu.region"() ({
      %run_scoped3A = tpu.sem_alloc : memref<!tpu.dma_semaphore, #tpu.memory_space<semaphore_mem>>
      %dma_start3A_87 = tpu.memref_slice %arg3[%add3A_4] : memref<13312xi32, #tpu.memory_space<hbm>> -> memref<104xi32, #tpu.memory_space<hbm>>
      %dma_start3A_88 = tpu.memref_slice %arg3[%add3A_4] : memref<13312xi32, #tpu.memory_space<hbm>> -> memref<104xi32, #tpu.memory_space<hbm>>
      tpu.enqueue_dma source(%dma_start3A_88 : memref<104xi32, #tpu.memory_space<hbm>>) target(%arg5 : memref<104xi32, #tpu.memory_space<vmem>>) target_semaphore(%run_scoped3A : memref<!tpu.dma_semaphore, #tpu.memory_space<semaphore_mem>>)
      %dma_wait3A_89 = tpu.memref_slice %arg3[%add3A_4] : memref<13312xi32, #tpu.memory_space<hbm>> -> memref<104xi32, #tpu.memory_space<hbm>>
      %dma_wait3A_90 = tpu.memref_slice %arg3[%add3A_4] : memref<13312xi32, #tpu.memory_space<hbm>> -> memref<104xi32, #tpu.memory_space<hbm>>
      tpu.wait_dma2 semaphore(%run_scoped3A : memref<!tpu.dma_semaphore, #tpu.memory_space<semaphore_mem>>) src(%dma_wait3A_90 : memref<104xi32, #tpu.memory_space<hbm>>) dst(%arg5 : memref<104xi32, #tpu.memory_space<vmem>>)
      tpu.yield
    }) : () -> ()
    %dma_start3A = arith.constant 0 : i32
    %dma_start3A_5 = arith.constant 0 : i32
    %dma_start3A_6 = tpu.memref_slice %arg2[%dma_start3A, %dma_start3A_5] : memref<26000x128xf32, #tpu.memory_space<hbm>> -> memref<26000x128xf32, #tpu.memory_space<hbm>>
    tpu.enqueue_indirect_dma source(%dma_start3A_6 : memref<26000x128xf32, #tpu.memory_space<hbm>>) target(%arg7 : memref<104x128xf32, #tpu.memory_space<vmem>>) offsets(%arg5 : memref<104xi32, #tpu.memory_space<vmem>>) semaphore(%arg9 : memref<!tpu.dma_semaphore, #tpu.memory_space<semaphore_mem>>)
    %mul3A_7 = arith.constant 416 : i32
    %mul3A_8 = arith.muli %add3A, %mul3A_7 : i32
    %add3A_9 = arith.constant 104 : i32
    %add3A_10 = arith.addi %mul3A_8, %add3A_9 : i32
    "tpu.region"() ({
      %run_scoped3A = tpu.sem_alloc : memref<!tpu.dma_semaphore, #tpu.memory_space<semaphore_mem>>
      %dma_start3A_87 = tpu.memref_slice %arg3[%add3A_10] : memref<13312xi32, #tpu.memory_space<hbm>> -> memref<104xi32, #tpu.memory_space<hbm>>
      %dma_start3A_88 = tpu.memref_slice %arg3[%add3A_10] : memref<13312xi32, #tpu.memory_space<hbm>> -> memref<104xi32, #tpu.memory_space<hbm>>
      tpu.enqueue_dma source(%dma_start3A_88 : memref<104xi32, #tpu.memory_space<hbm>>) target(%arg6 : memref<104xi32, #tpu.memory_space<vmem>>) target_semaphore(%run_scoped3A : memref<!tpu.dma_semaphore, #tpu.memory_space<semaphore_mem>>)
      %dma_wait3A_89 = tpu.memref_slice %arg3[%add3A_10] : memref<13312xi32, #tpu.memory_space<hbm>> -> memref<104xi32, #tpu.memory_space<hbm>>
      %dma_wait3A_90 = tpu.memref_slice %arg3[%add3A_10] : memref<13312xi32, #tpu.memory_space<hbm>> -> memref<104xi32, #tpu.memory_space<hbm>>
      tpu.wait_dma2 semaphore(%run_scoped3A : memref<!tpu.dma_semaphore, #tpu.memory_space<semaphore_mem>>) src(%dma_wait3A_90 : memref<104xi32, #tpu.memory_space<hbm>>) dst(%arg6 : memref<104xi32, #tpu.memory_space<vmem>>)
      tpu.yield
    }) : () -> ()
    %dma_start3A_11 = arith.constant 0 : i32
    %dma_start3A_12 = arith.constant 0 : i32
    %dma_start3A_13 = tpu.memref_slice %arg2[%dma_start3A_11, %dma_start3A_12] : memref<26000x128xf32, #tpu.memory_space<hbm>> -> memref<26000x128xf32, #tpu.memory_space<hbm>>
    tpu.enqueue_indirect_dma source(%dma_start3A_13 : memref<26000x128xf32, #tpu.memory_space<hbm>>) target(%arg8 : memref<104x128xf32, #tpu.memory_space<vmem>>) offsets(%arg6 : memref<104xi32, #tpu.memory_space<vmem>>) semaphore(%arg10 : memref<!tpu.dma_semaphore, #tpu.memory_space<semaphore_mem>>)
    %dma_wait3A = arith.constant 0 : i32
    %dma_wait3A_14 = arith.constant 0 : i32
    %dma_wait3A_15 = tpu.memref_slice %arg2[%dma_wait3A, %dma_wait3A_14] : memref<26000x128xf32, #tpu.memory_space<hbm>> -> memref<26000x128xf32, #tpu.memory_space<hbm>>
    tpu.wait_indirect_dma semaphore(%arg9 : memref<!tpu.dma_semaphore, #tpu.memory_space<semaphore_mem>>) src(%dma_wait3A_15 : memref<26000x128xf32, #tpu.memory_space<hbm>>) dst(%arg7 : memref<104x128xf32, #tpu.memory_space<vmem>>)
    %mul3A_16 = arith.constant 416 : i32
    %mul3A_17 = arith.muli %add3A, %mul3A_16 : i32
    %add3A_18 = arith.constant 0 : i32
    %add3A_19 = arith.addi %mul3A_17, %add3A_18 : i32
    %dma_start3A_20 = arith.constant 0 : i32
    %dma_start3A_21 = tpu.memref_slice %arg4[%add3A_19, %dma_start3A_20] : memref<13312x128xf32, #tpu.memory_space<hbm>> -> memref<104x128xf32, #tpu.memory_space<hbm>>
    %dma_start3A_22 = arith.constant 0 : i32
    %dma_start3A_23 = tpu.memref_slice %arg4[%add3A_19, %dma_start3A_22] : memref<13312x128xf32, #tpu.memory_space<hbm>> -> memref<104x128xf32, #tpu.memory_space<hbm>>
    tpu.enqueue_dma source(%arg7 : memref<104x128xf32, #tpu.memory_space<vmem>>) target(%dma_start3A_23 : memref<104x128xf32, #tpu.memory_space<hbm>>) target_semaphore(%arg11 : memref<!tpu.dma_semaphore, #tpu.memory_space<semaphore_mem>>)
    %dma_wait3A_24 = arith.constant 0 : i32
    %dma_wait3A_25 = tpu.memref_slice %arg4[%add3A_19, %dma_wait3A_24] : memref<13312x128xf32, #tpu.memory_space<hbm>> -> memref<104x128xf32, #tpu.memory_space<hbm>>
    %dma_wait3A_26 = arith.constant 0 : i32
    %dma_wait3A_27 = tpu.memref_slice %arg4[%add3A_19, %dma_wait3A_26] : memref<13312x128xf32, #tpu.memory_space<hbm>> -> memref<104x128xf32, #tpu.memory_space<hbm>>
    tpu.wait_dma2 semaphore(%arg11 : memref<!tpu.dma_semaphore, #tpu.memory_space<semaphore_mem>>) src(%arg7 : memref<104x128xf32, #tpu.memory_space<vmem>>) dst(%dma_wait3A_27 : memref<104x128xf32, #tpu.memory_space<hbm>>)
    %mul3A_28 = arith.constant 416 : i32
    %mul3A_29 = arith.muli %add3A, %mul3A_28 : i32
    %add3A_30 = arith.constant 208 : i32
    %add3A_31 = arith.addi %mul3A_29, %add3A_30 : i32
    "tpu.region"() ({
      %run_scoped3A = tpu.sem_alloc : memref<!tpu.dma_semaphore, #tpu.memory_space<semaphore_mem>>
      %dma_start3A_87 = tpu.memref_slice %arg3[%add3A_31] : memref<13312xi32, #tpu.memory_space<hbm>> -> memref<104xi32, #tpu.memory_space<hbm>>
      %dma_start3A_88 = tpu.memref_slice %arg3[%add3A_31] : memref<13312xi32, #tpu.memory_space<hbm>> -> memref<104xi32, #tpu.memory_space<hbm>>
      tpu.enqueue_dma source(%dma_start3A_88 : memref<104xi32, #tpu.memory_space<hbm>>) target(%arg5 : memref<104xi32, #tpu.memory_space<vmem>>) target_semaphore(%run_scoped3A : memref<!tpu.dma_semaphore, #tpu.memory_space<semaphore_mem>>)
      %dma_wait3A_89 = tpu.memref_slice %arg3[%add3A_31] : memref<13312xi32, #tpu.memory_space<hbm>> -> memref<104xi32, #tpu.memory_space<hbm>>
      %dma_wait3A_90 = tpu.memref_slice %arg3[%add3A_31] : memref<13312xi32, #tpu.memory_space<hbm>> -> memref<104xi32, #tpu.memory_space<hbm>>
      tpu.wait_dma2 semaphore(%run_scoped3A : memref<!tpu.dma_semaphore, #tpu.memory_space<semaphore_mem>>) src(%dma_wait3A_90 : memref<104xi32, #tpu.memory_space<hbm>>) dst(%arg5 : memref<104xi32, #tpu.memory_space<vmem>>)
      tpu.yield
    }) : () -> ()
    %dma_start3A_32 = arith.constant 0 : i32
    %dma_start3A_33 = arith.constant 0 : i32
    %dma_start3A_34 = tpu.memref_slice %arg2[%dma_start3A_32, %dma_start3A_33] : memref<26000x128xf32, #tpu.memory_space<hbm>> -> memref<26000x128xf32, #tpu.memory_space<hbm>>
    tpu.enqueue_indirect_dma source(%dma_start3A_34 : memref<26000x128xf32, #tpu.memory_space<hbm>>) target(%arg7 : memref<104x128xf32, #tpu.memory_space<vmem>>) offsets(%arg5 : memref<104xi32, #tpu.memory_space<vmem>>) semaphore(%arg9 : memref<!tpu.dma_semaphore, #tpu.memory_space<semaphore_mem>>)
    %dma_wait3A_35 = arith.constant 0 : i32
    %dma_wait3A_36 = arith.constant 0 : i32
    %dma_wait3A_37 = tpu.memref_slice %arg2[%dma_wait3A_35, %dma_wait3A_36] : memref<26000x128xf32, #tpu.memory_space<hbm>> -> memref<26000x128xf32, #tpu.memory_space<hbm>>
    tpu.wait_indirect_dma semaphore(%arg10 : memref<!tpu.dma_semaphore, #tpu.memory_space<semaphore_mem>>) src(%dma_wait3A_37 : memref<26000x128xf32, #tpu.memory_space<hbm>>) dst(%arg8 : memref<104x128xf32, #tpu.memory_space<vmem>>)
    %mul3A_38 = arith.constant 416 : i32
    %mul3A_39 = arith.muli %add3A, %mul3A_38 : i32
    %add3A_40 = arith.constant 104 : i32
    %add3A_41 = arith.addi %mul3A_39, %add3A_40 : i32
    %dma_start3A_42 = arith.constant 0 : i32
    %dma_start3A_43 = tpu.memref_slice %arg4[%add3A_41, %dma_start3A_42] : memref<13312x128xf32, #tpu.memory_space<hbm>> -> memref<104x128xf32, #tpu.memory_space<hbm>>
    %dma_start3A_44 = arith.constant 0 : i32
    %dma_start3A_45 = tpu.memref_slice %arg4[%add3A_41, %dma_start3A_44] : memref<13312x128xf32, #tpu.memory_space<hbm>> -> memref<104x128xf32, #tpu.memory_space<hbm>>
    tpu.enqueue_dma source(%arg8 : memref<104x128xf32, #tpu.memory_space<vmem>>) target(%dma_start3A_45 : memref<104x128xf32, #tpu.memory_space<hbm>>) target_semaphore(%arg12 : memref<!tpu.dma_semaphore, #tpu.memory_space<semaphore_mem>>)
    %dma_wait3A_46 = arith.constant 0 : i32
    %dma_wait3A_47 = tpu.memref_slice %arg4[%add3A_41, %dma_wait3A_46] : memref<13312x128xf32, #tpu.memory_space<hbm>> -> memref<104x128xf32, #tpu.memory_space<hbm>>
    %dma_wait3A_48 = arith.constant 0 : i32
    %dma_wait3A_49 = tpu.memref_slice %arg4[%add3A_41, %dma_wait3A_48] : memref<13312x128xf32, #tpu.memory_space<hbm>> -> memref<104x128xf32, #tpu.memory_space<hbm>>
    tpu.wait_dma2 semaphore(%arg12 : memref<!tpu.dma_semaphore, #tpu.memory_space<semaphore_mem>>) src(%arg8 : memref<104x128xf32, #tpu.memory_space<vmem>>) dst(%dma_wait3A_49 : memref<104x128xf32, #tpu.memory_space<hbm>>)
    %mul3A_50 = arith.constant 416 : i32
    %mul3A_51 = arith.muli %add3A, %mul3A_50 : i32
    %add3A_52 = arith.constant 312 : i32
    %add3A_53 = arith.addi %mul3A_51, %add3A_52 : i32
    "tpu.region"() ({
      %run_scoped3A = tpu.sem_alloc : memref<!tpu.dma_semaphore, #tpu.memory_space<semaphore_mem>>
      %dma_start3A_87 = tpu.memref_slice %arg3[%add3A_53] : memref<13312xi32, #tpu.memory_space<hbm>> -> memref<104xi32, #tpu.memory_space<hbm>>
      %dma_start3A_88 = tpu.memref_slice %arg3[%add3A_53] : memref<13312xi32, #tpu.memory_space<hbm>> -> memref<104xi32, #tpu.memory_space<hbm>>
      tpu.enqueue_dma source(%dma_start3A_88 : memref<104xi32, #tpu.memory_space<hbm>>) target(%arg6 : memref<104xi32, #tpu.memory_space<vmem>>) target_semaphore(%run_scoped3A : memref<!tpu.dma_semaphore, #tpu.memory_space<semaphore_mem>>)
      %dma_wait3A_89 = tpu.memref_slice %arg3[%add3A_53] : memref<13312xi32, #tpu.memory_space<hbm>> -> memref<104xi32, #tpu.memory_space<hbm>>
      %dma_wait3A_90 = tpu.memref_slice %arg3[%add3A_53] : memref<13312xi32, #tpu.memory_space<hbm>> -> memref<104xi32, #tpu.memory_space<hbm>>
      tpu.wait_dma2 semaphore(%run_scoped3A : memref<!tpu.dma_semaphore, #tpu.memory_space<semaphore_mem>>) src(%dma_wait3A_90 : memref<104xi32, #tpu.memory_space<hbm>>) dst(%arg6 : memref<104xi32, #tpu.memory_space<vmem>>)
      tpu.yield
    }) : () -> ()
    %dma_start3A_54 = arith.constant 0 : i32
    %dma_start3A_55 = arith.constant 0 : i32
    %dma_start3A_56 = tpu.memref_slice %arg2[%dma_start3A_54, %dma_start3A_55] : memref<26000x128xf32, #tpu.memory_space<hbm>> -> memref<26000x128xf32, #tpu.memory_space<hbm>>
    tpu.enqueue_indirect_dma source(%dma_start3A_56 : memref<26000x128xf32, #tpu.memory_space<hbm>>) target(%arg8 : memref<104x128xf32, #tpu.memory_space<vmem>>) offsets(%arg6 : memref<104xi32, #tpu.memory_space<vmem>>) semaphore(%arg10 : memref<!tpu.dma_semaphore, #tpu.memory_space<semaphore_mem>>)
    %dma_wait3A_57 = arith.constant 0 : i32
    %dma_wait3A_58 = arith.constant 0 : i32
    %dma_wait3A_59 = tpu.memref_slice %arg2[%dma_wait3A_57, %dma_wait3A_58] : memref<26000x128xf32, #tpu.memory_space<hbm>> -> memref<26000x128xf32, #tpu.memory_space<hbm>>
    tpu.wait_indirect_dma semaphore(%arg9 : memref<!tpu.dma_semaphore, #tpu.memory_space<semaphore_mem>>) src(%dma_wait3A_59 : memref<26000x128xf32, #tpu.memory_space<hbm>>) dst(%arg7 : memref<104x128xf32, #tpu.memory_space<vmem>>)
    %mul3A_60 = arith.constant 416 : i32
    %mul3A_61 = arith.muli %add3A, %mul3A_60 : i32
    %add3A_62 = arith.constant 208 : i32
    %add3A_63 = arith.addi %mul3A_61, %add3A_62 : i32
    %dma_start3A_64 = arith.constant 0 : i32
    %dma_start3A_65 = tpu.memref_slice %arg4[%add3A_63, %dma_start3A_64] : memref<13312x128xf32, #tpu.memory_space<hbm>> -> memref<104x128xf32, #tpu.memory_space<hbm>>
    %dma_start3A_66 = arith.constant 0 : i32
    %dma_start3A_67 = tpu.memref_slice %arg4[%add3A_63, %dma_start3A_66] : memref<13312x128xf32, #tpu.memory_space<hbm>> -> memref<104x128xf32, #tpu.memory_space<hbm>>
    tpu.enqueue_dma source(%arg7 : memref<104x128xf32, #tpu.memory_space<vmem>>) target(%dma_start3A_67 : memref<104x128xf32, #tpu.memory_space<hbm>>) target_semaphore(%arg11 : memref<!tpu.dma_semaphore, #tpu.memory_space<semaphore_mem>>)
    %dma_wait3A_68 = arith.constant 0 : i32
    %dma_wait3A_69 = arith.constant 0 : i32
    %dma_wait3A_70 = tpu.memref_slice %arg2[%dma_wait3A_68, %dma_wait3A_69] : memref<26000x128xf32, #tpu.memory_space<hbm>> -> memref<26000x128xf32, #tpu.memory_space<hbm>>
    tpu.wait_indirect_dma semaphore(%arg10 : memref<!tpu.dma_semaphore, #tpu.memory_space<semaphore_mem>>) src(%dma_wait3A_70 : memref<26000x128xf32, #tpu.memory_space<hbm>>) dst(%arg8 : memref<104x128xf32, #tpu.memory_space<vmem>>)
    %mul3A_71 = arith.constant 416 : i32
    %mul3A_72 = arith.muli %add3A, %mul3A_71 : i32
    %add3A_73 = arith.constant 312 : i32
    %add3A_74 = arith.addi %mul3A_72, %add3A_73 : i32
    %dma_start3A_75 = arith.constant 0 : i32
    %dma_start3A_76 = tpu.memref_slice %arg4[%add3A_74, %dma_start3A_75] : memref<13312x128xf32, #tpu.memory_space<hbm>> -> memref<104x128xf32, #tpu.memory_space<hbm>>
    %dma_start3A_77 = arith.constant 0 : i32
    %dma_start3A_78 = tpu.memref_slice %arg4[%add3A_74, %dma_start3A_77] : memref<13312x128xf32, #tpu.memory_space<hbm>> -> memref<104x128xf32, #tpu.memory_space<hbm>>
    tpu.enqueue_dma source(%arg8 : memref<104x128xf32, #tpu.memory_space<vmem>>) target(%dma_start3A_78 : memref<104x128xf32, #tpu.memory_space<hbm>>) target_semaphore(%arg12 : memref<!tpu.dma_semaphore, #tpu.memory_space<semaphore_mem>>)
    %dma_wait3A_79 = arith.constant 0 : i32
    %dma_wait3A_80 = tpu.memref_slice %arg4[%add3A_63, %dma_wait3A_79] : memref<13312x128xf32, #tpu.memory_space<hbm>> -> memref<104x128xf32, #tpu.memory_space<hbm>>
    %dma_wait3A_81 = arith.constant 0 : i32
    %dma_wait3A_82 = tpu.memref_slice %arg4[%add3A_63, %dma_wait3A_81] : memref<13312x128xf32, #tpu.memory_space<hbm>> -> memref<104x128xf32, #tpu.memory_space<hbm>>
    tpu.wait_dma2 semaphore(%arg11 : memref<!tpu.dma_semaphore, #tpu.memory_space<semaphore_mem>>) src(%arg7 : memref<104x128xf32, #tpu.memory_space<vmem>>) dst(%dma_wait3A_82 : memref<104x128xf32, #tpu.memory_space<hbm>>)
    %dma_wait3A_83 = arith.constant 0 : i32
    %dma_wait3A_84 = tpu.memref_slice %arg4[%add3A_74, %dma_wait3A_83] : memref<13312x128xf32, #tpu.memory_space<hbm>> -> memref<104x128xf32, #tpu.memory_space<hbm>>
    %dma_wait3A_85 = arith.constant 0 : i32
    %dma_wait3A_86 = tpu.memref_slice %arg4[%add3A_74, %dma_wait3A_85] : memref<13312x128xf32, #tpu.memory_space<hbm>> -> memref<104x128xf32, #tpu.memory_space<hbm>>
    tpu.wait_dma2 semaphore(%arg12 : memref<!tpu.dma_semaphore, #tpu.memory_space<semaphore_mem>>) src(%arg8 : memref<104x128xf32, #tpu.memory_space<vmem>>) dst(%dma_wait3A_86 : memref<104x128xf32, #tpu.memory_space<hbm>>)
    return
  }
}

#map = affine_map<(d0, d1) -> (0, 0)>
#map1 = affine_map<(d0, d1) -> (0)>
module attributes {stable_mosaic.version = 14 : i64} {
  func.func @k(%arg0: i32, %arg1: i32, %arg2: memref<26000x128xf32, #tpu.memory_space<hbm>>, %arg3: memref<13312xi32, #tpu.memory_space<hbm>>, %arg4: memref<13312x128xf32, #tpu.memory_space<hbm>>, %arg5: memref<104xi32, #tpu.memory_space<vmem>>, %arg6: memref<104xi32, #tpu.memory_space<vmem>>, %arg7: memref<104x128xf32, #tpu.memory_space<vmem>>, %arg8: memref<104x128xf32, #tpu.memory_space<vmem>>, %arg9: memref<!tpu.dma_semaphore, #tpu.memory_space<semaphore_mem>>, %arg10: memref<!tpu.dma_semaphore, #tpu.memory_space<semaphore_mem>>, %arg11: memref<!tpu.dma_semaphore, #tpu.memory_space<semaphore_mem>>, %arg12: memref<!tpu.dma_semaphore, #tpu.memory_space<semaphore_mem>>) attributes {dimension_semantics = [#tpu.dimension_semantics<core_parallel>, #tpu.dimension_semantics<subcore_parallel>], iteration_bounds = array<i64: 2, 16>, scalar_prefetch = 0 : i64, scratch_operands = 8 : i64, tpu.core_type = #tpu.core_type<sc_vector_subcore>, window_params = [{transform_indices = #map}, {transform_indices = #map1}, {transform_indices = #map}]} {
    %mul3A = arith.constant 2 : i32
    %mul3A_0 = arith.muli %arg1, %mul3A : i32
    %add3A = arith.addi %mul3A_0, %arg0 : i32
    %mul3A_1 = arith.constant 416 : i32
    %mul3A_2 = arith.muli %add3A, %mul3A_1 : i32
    %add3A_3 = arith.constant 0 : i32
    %add3A_4 = arith.addi %mul3A_2, %add3A_3 : i32
    "tpu.region"() ({
      %run_scoped3A = tpu.sem_alloc : memref<!tpu.dma_semaphore, #tpu.memory_space<semaphore_mem>>
      %dma_start3A_87 = tpu.memref_slice %arg3[%add3A_4] : memref<13312xi32, #tpu.memory_space<hbm>> -> memref<104xi32, #tpu.memory_space<hbm>>
      %dma_start3A_88 = tpu.memref_slice %arg3[%add3A_4] : memref<13312xi32, #tpu.memory_space<hbm>> -> memref<104xi32, #tpu.memory_space<hbm>>
      tpu.enqueue_dma source(%dma_start3A_88 : memref<104xi32, #tpu.memory_space<hbm>>) target(%arg5 : memref<104xi32, #tpu.memory_space<vmem>>) target_semaphore(%run_scoped3A : memref<!tpu.dma_semaphore, #tpu.memory_space<semaphore_mem>>)
      %dma_wait3A_89 = tpu.memref_slice %arg3[%add3A_4] : memref<13312xi32, #tpu.memory_space<hbm>> -> memref<104xi32, #tpu.memory_space<hbm>>
      %dma_wait3A_90 = tpu.memref_slice %arg3[%add3A_4] : memref<13312xi32, #tpu.memory_space<hbm>> -> memref<104xi32, #tpu.memory_space<hbm>>
      tpu.wait_dma2 semaphore(%run_scoped3A : memref<!tpu.dma_semaphore, #tpu.memory_space<semaphore_mem>>) src(%dma_wait3A_90 : memref<104xi32, #tpu.memory_space<hbm>>) dst(%arg5 : memref<104xi32, #tpu.memory_space<vmem>>)
      tpu.yield
    }) : () -> ()
    %dma_start3A = arith.constant 0 : i32
    %dma_start3A_5 = arith.constant 0 : i32
    %dma_start3A_6 = tpu.memref_slice %arg2[%dma_start3A, %dma_start3A_5] : memref<26000x128xf32, #tpu.memory_space<hbm>> -> memref<26000x128xf32, #tpu.memory_space<hbm>>
    tpu.enqueue_indirect_dma source(%dma_start3A_6 : memref<26000x128xf32, #tpu.memory_space<hbm>>) target(%arg7 : memref<104x128xf32, #tpu.memory_space<vmem>>) offsets(%arg5 : memref<104xi32, #tpu.memory_space<vmem>>) semaphore(%arg9 : memref<!tpu.dma_semaphore, #tpu.memory_space<semaphore_mem>>)
    %mul3A_7 = arith.constant 416 : i32
    %mul3A_8 = arith.muli %add3A, %mul3A_7 : i32
    %add3A_9 = arith.constant 104 : i32
    %add3A_10 = arith.addi %mul3A_8, %add3A_9 : i32
    "tpu.region"() ({
      %run_scoped3A = tpu.sem_alloc : memref<!tpu.dma_semaphore, #tpu.memory_space<semaphore_mem>>
      %dma_start3A_87 = tpu.memref_slice %arg3[%add3A_10] : memref<13312xi32, #tpu.memory_space<hbm>> -> memref<104xi32, #tpu.memory_space<hbm>>
      %dma_start3A_88 = tpu.memref_slice %arg3[%add3A_10] : memref<13312xi32, #tpu.memory_space<hbm>> -> memref<104xi32, #tpu.memory_space<hbm>>
      tpu.enqueue_dma source(%dma_start3A_88 : memref<104xi32, #tpu.memory_space<hbm>>) target(%arg6 : memref<104xi32, #tpu.memory_space<vmem>>) target_semaphore(%run_scoped3A : memref<!tpu.dma_semaphore, #tpu.memory_space<semaphore_mem>>)
      %dma_wait3A_89 = tpu.memref_slice %arg3[%add3A_10] : memref<13312xi32, #tpu.memory_space<hbm>> -> memref<104xi32, #tpu.memory_space<hbm>>
      %dma_wait3A_90 = tpu.memref_slice %arg3[%add3A_10] : memref<13312xi32, #tpu.memory_space<hbm>> -> memref<104xi32, #tpu.memory_space<hbm>>
      tpu.wait_dma2 semaphore(%run_scoped3A : memref<!tpu.dma_semaphore, #tpu.memory_space<semaphore_mem>>) src(%dma_wait3A_90 : memref<104xi32, #tpu.memory_space<hbm>>) dst(%arg6 : memref<104xi32, #tpu.memory_space<vmem>>)
      tpu.yield
    }) : () -> ()
    %dma_start3A_11 = arith.constant 0 : i32
    %dma_start3A_12 = arith.constant 0 : i32
    %dma_start3A_13 = tpu.memref_slice %arg2[%dma_start3A_11, %dma_start3A_12] : memref<26000x128xf32, #tpu.memory_space<hbm>> -> memref<26000x128xf32, #tpu.memory_space<hbm>>
    tpu.enqueue_indirect_dma source(%dma_start3A_13 : memref<26000x128xf32, #tpu.memory_space<hbm>>) target(%arg8 : memref<104x128xf32, #tpu.memory_space<vmem>>) offsets(%arg6 : memref<104xi32, #tpu.memory_space<vmem>>) semaphore(%arg10 : memref<!tpu.dma_semaphore, #tpu.memory_space<semaphore_mem>>)
    %dma_wait3A = arith.constant 0 : i32
    %dma_wait3A_14 = arith.constant 0 : i32
    %dma_wait3A_15 = tpu.memref_slice %arg2[%dma_wait3A, %dma_wait3A_14] : memref<26000x128xf32, #tpu.memory_space<hbm>> -> memref<26000x128xf32, #tpu.memory_space<hbm>>
    tpu.wait_indirect_dma semaphore(%arg9 : memref<!tpu.dma_semaphore, #tpu.memory_space<semaphore_mem>>) src(%dma_wait3A_15 : memref<26000x128xf32, #tpu.memory_space<hbm>>) dst(%arg7 : memref<104x128xf32, #tpu.memory_space<vmem>>)
    %mul3A_16 = arith.constant 416 : i32
    %mul3A_17 = arith.muli %add3A, %mul3A_16 : i32
    %add3A_18 = arith.constant 0 : i32
    %add3A_19 = arith.addi %mul3A_17, %add3A_18 : i32
    %dma_start3A_20 = arith.constant 0 : i32
    %dma_start3A_21 = tpu.memref_slice %arg4[%add3A_19, %dma_start3A_20] : memref<13312x128xf32, #tpu.memory_space<hbm>> -> memref<104x128xf32, #tpu.memory_space<hbm>>
    %dma_start3A_22 = arith.constant 0 : i32
    %dma_start3A_23 = tpu.memref_slice %arg4[%add3A_19, %dma_start3A_22] : memref<13312x128xf32, #tpu.memory_space<hbm>> -> memref<104x128xf32, #tpu.memory_space<hbm>>
    tpu.enqueue_dma source(%arg7 : memref<104x128xf32, #tpu.memory_space<vmem>>) target(%dma_start3A_23 : memref<104x128xf32, #tpu.memory_space<hbm>>) target_semaphore(%arg11 : memref<!tpu.dma_semaphore, #tpu.memory_space<semaphore_mem>>)
    %dma_wait3A_24 = arith.constant 0 : i32
    %dma_wait3A_25 = tpu.memref_slice %arg4[%add3A_19, %dma_wait3A_24] : memref<13312x128xf32, #tpu.memory_space<hbm>> -> memref<104x128xf32, #tpu.memory_space<hbm>>
    %dma_wait3A_26 = arith.constant 0 : i32
    %dma_wait3A_27 = tpu.memref_slice %arg4[%add3A_19, %dma_wait3A_26] : memref<13312x128xf32, #tpu.memory_space<hbm>> -> memref<104x128xf32, #tpu.memory_space<hbm>>
    tpu.wait_dma2 semaphore(%arg11 : memref<!tpu.dma_semaphore, #tpu.memory_space<semaphore_mem>>) src(%arg7 : memref<104x128xf32, #tpu.memory_space<vmem>>) dst(%dma_wait3A_27 : memref<104x128xf32, #tpu.memory_space<hbm>>)
    %mul3A_28 = arith.constant 416 : i32
    %mul3A_29 = arith.muli %add3A, %mul3A_28 : i32
    %add3A_30 = arith.constant 208 : i32
    %add3A_31 = arith.addi %mul3A_29, %add3A_30 : i32
    "tpu.region"() ({
      %run_scoped3A = tpu.sem_alloc : memref<!tpu.dma_semaphore, #tpu.memory_space<semaphore_mem>>
      %dma_start3A_87 = tpu.memref_slice %arg3[%add3A_31] : memref<13312xi32, #tpu.memory_space<hbm>> -> memref<104xi32, #tpu.memory_space<hbm>>
      %dma_start3A_88 = tpu.memref_slice %arg3[%add3A_31] : memref<13312xi32, #tpu.memory_space<hbm>> -> memref<104xi32, #tpu.memory_space<hbm>>
      tpu.enqueue_dma source(%dma_start3A_88 : memref<104xi32, #tpu.memory_space<hbm>>) target(%arg5 : memref<104xi32, #tpu.memory_space<vmem>>) target_semaphore(%run_scoped3A : memref<!tpu.dma_semaphore, #tpu.memory_space<semaphore_mem>>)
      %dma_wait3A_89 = tpu.memref_slice %arg3[%add3A_31] : memref<13312xi32, #tpu.memory_space<hbm>> -> memref<104xi32, #tpu.memory_space<hbm>>
      %dma_wait3A_90 = tpu.memref_slice %arg3[%add3A_31] : memref<13312xi32, #tpu.memory_space<hbm>> -> memref<104xi32, #tpu.memory_space<hbm>>
      tpu.wait_dma2 semaphore(%run_scoped3A : memref<!tpu.dma_semaphore, #tpu.memory_space<semaphore_mem>>) src(%dma_wait3A_90 : memref<104xi32, #tpu.memory_space<hbm>>) dst(%arg5 : memref<104xi32, #tpu.memory_space<vmem>>)
      tpu.yield
    }) : () -> ()
    %dma_start3A_32 = arith.constant 0 : i32
    %dma_start3A_33 = arith.constant 0 : i32
    %dma_start3A_34 = tpu.memref_slice %arg2[%dma_start3A_32, %dma_start3A_33] : memref<26000x128xf32, #tpu.memory_space<hbm>> -> memref<26000x128xf32, #tpu.memory_space<hbm>>
    tpu.enqueue_indirect_dma source(%dma_start3A_34 : memref<26000x128xf32, #tpu.memory_space<hbm>>) target(%arg7 : memref<104x128xf32, #tpu.memory_space<vmem>>) offsets(%arg5 : memref<104xi32, #tpu.memory_space<vmem>>) semaphore(%arg9 : memref<!tpu.dma_semaphore, #tpu.memory_space<semaphore_mem>>)
    %dma_wait3A_35 = arith.constant 0 : i32
    %dma_wait3A_36 = arith.constant 0 : i32
    %dma_wait3A_37 = tpu.memref_slice %arg2[%dma_wait3A_35, %dma_wait3A_36] : memref<26000x128xf32, #tpu.memory_space<hbm>> -> memref<26000x128xf32, #tpu.memory_space<hbm>>
    tpu.wait_indirect_dma semaphore(%arg10 : memref<!tpu.dma_semaphore, #tpu.memory_space<semaphore_mem>>) src(%dma_wait3A_37 : memref<26000x128xf32, #tpu.memory_space<hbm>>) dst(%arg8 : memref<104x128xf32, #tpu.memory_space<vmem>>)
    %mul3A_38 = arith.constant 416 : i32
    %mul3A_39 = arith.muli %add3A, %mul3A_38 : i32
    %add3A_40 = arith.constant 104 : i32
    %add3A_41 = arith.addi %mul3A_39, %add3A_40 : i32
    %dma_start3A_42 = arith.constant 0 : i32
    %dma_start3A_43 = tpu.memref_slice %arg4[%add3A_41, %dma_start3A_42] : memref<13312x128xf32, #tpu.memory_space<hbm>> -> memref<104x128xf32, #tpu.memory_space<hbm>>
    %dma_start3A_44 = arith.constant 0 : i32
    %dma_start3A_45 = tpu.memref_slice %arg4[%add3A_41, %dma_start3A_44] : memref<13312x128xf32, #tpu.memory_space<hbm>> -> memref<104x128xf32, #tpu.memory_space<hbm>>
    tpu.enqueue_dma source(%arg8 : memref<104x128xf32, #tpu.memory_space<vmem>>) target(%dma_start3A_45 : memref<104x128xf32, #tpu.memory_space<hbm>>) target_semaphore(%arg12 : memref<!tpu.dma_semaphore, #tpu.memory_space<semaphore_mem>>)
    %dma_wait3A_46 = arith.constant 0 : i32
    %dma_wait3A_47 = tpu.memref_slice %arg4[%add3A_41, %dma_wait3A_46] : memref<13312x128xf32, #tpu.memory_space<hbm>> -> memref<104x128xf32, #tpu.memory_space<hbm>>
    %dma_wait3A_48 = arith.constant 0 : i32
    %dma_wait3A_49 = tpu.memref_slice %arg4[%add3A_41, %dma_wait3A_48] : memref<13312x128xf32, #tpu.memory_space<hbm>> -> memref<104x128xf32, #tpu.memory_space<hbm>>
    tpu.wait_dma2 semaphore(%arg12 : memref<!tpu.dma_semaphore, #tpu.memory_space<semaphore_mem>>) src(%arg8 : memref<104x128xf32, #tpu.memory_space<vmem>>) dst(%dma_wait3A_49 : memref<104x128xf32, #tpu.memory_space<hbm>>)
    %mul3A_50 = arith.constant 416 : i32
    %mul3A_51 = arith.muli %add3A, %mul3A_50 : i32
    %add3A_52 = arith.constant 312 : i32
    %add3A_53 = arith.addi %mul3A_51, %add3A_52 : i32
    "tpu.region"() ({
      %run_scoped3A = tpu.sem_alloc : memref<!tpu.dma_semaphore, #tpu.memory_space<semaphore_mem>>
      %dma_start3A_87 = tpu.memref_slice %arg3[%add3A_53] : memref<13312xi32, #tpu.memory_space<hbm>> -> memref<104xi32, #tpu.memory_space<hbm>>
      %dma_start3A_88 = tpu.memref_slice %arg3[%add3A_53] : memref<13312xi32, #tpu.memory_space<hbm>> -> memref<104xi32, #tpu.memory_space<hbm>>
      tpu.enqueue_dma source(%dma_start3A_88 : memref<104xi32, #tpu.memory_space<hbm>>) target(%arg6 : memref<104xi32, #tpu.memory_space<vmem>>) target_semaphore(%run_scoped3A : memref<!tpu.dma_semaphore, #tpu.memory_space<semaphore_mem>>)
      %dma_wait3A_89 = tpu.memref_slice %arg3[%add3A_53] : memref<13312xi32, #tpu.memory_space<hbm>> -> memref<104xi32, #tpu.memory_space<hbm>>
      %dma_wait3A_90 = tpu.memref_slice %arg3[%add3A_53] : memref<13312xi32, #tpu.memory_space<hbm>> -> memref<104xi32, #tpu.memory_space<hbm>>
      tpu.wait_dma2 semaphore(%run_scoped3A : memref<!tpu.dma_semaphore, #tpu.memory_space<semaphore_mem>>) src(%dma_wait3A_90 : memref<104xi32, #tpu.memory_space<hbm>>) dst(%arg6 : memref<104xi32, #tpu.memory_space<vmem>>)
      tpu.yield
    }) : () -> ()
    %dma_start3A_54 = arith.constant 0 : i32
    %dma_start3A_55 = arith.constant 0 : i32
    %dma_start3A_56 = tpu.memref_slice %arg2[%dma_start3A_54, %dma_start3A_55] : memref<26000x128xf32, #tpu.memory_space<hbm>> -> memref<26000x128xf32, #tpu.memory_space<hbm>>
    tpu.enqueue_indirect_dma source(%dma_start3A_56 : memref<26000x128xf32, #tpu.memory_space<hbm>>) target(%arg8 : memref<104x128xf32, #tpu.memory_space<vmem>>) offsets(%arg6 : memref<104xi32, #tpu.memory_space<vmem>>) semaphore(%arg10 : memref<!tpu.dma_semaphore, #tpu.memory_space<semaphore_mem>>)
    %dma_wait3A_57 = arith.constant 0 : i32
    %dma_wait3A_58 = arith.constant 0 : i32
    %dma_wait3A_59 = tpu.memref_slice %arg2[%dma_wait3A_57, %dma_wait3A_58] : memref<26000x128xf32, #tpu.memory_space<hbm>> -> memref<26000x128xf32, #tpu.memory_space<hbm>>
    tpu.wait_indirect_dma semaphore(%arg9 : memref<!tpu.dma_semaphore, #tpu.memory_space<semaphore_mem>>) src(%dma_wait3A_59 : memref<26000x128xf32, #tpu.memory_space<hbm>>) dst(%arg7 : memref<104x128xf32, #tpu.memory_space<vmem>>)
    %mul3A_60 = arith.constant 416 : i32
    %mul3A_61 = arith.muli %add3A, %mul3A_60 : i32
    %add3A_62 = arith.constant 208 : i32
    %add3A_63 = arith.addi %mul3A_61, %add3A_62 : i32
    %dma_start3A_64 = arith.constant 0 : i32
    %dma_start3A_65 = tpu.memref_slice %arg4[%add3A_63, %dma_start3A_64] : memref<13312x128xf32, #tpu.memory_space<hbm>> -> memref<104x128xf32, #tpu.memory_space<hbm>>
    %dma_start3A_66 = arith.constant 0 : i32
    %dma_start3A_67 = tpu.memref_slice %arg4[%add3A_63, %dma_start3A_66] : memref<13312x128xf32, #tpu.memory_space<hbm>> -> memref<104x128xf32, #tpu.memory_space<hbm>>
    tpu.enqueue_dma source(%arg7 : memref<104x128xf32, #tpu.memory_space<vmem>>) target(%dma_start3A_67 : memref<104x128xf32, #tpu.memory_space<hbm>>) target_semaphore(%arg11 : memref<!tpu.dma_semaphore, #tpu.memory_space<semaphore_mem>>)
    %dma_wait3A_68 = arith.constant 0 : i32
    %dma_wait3A_69 = arith.constant 0 : i32
    %dma_wait3A_70 = tpu.memref_slice %arg2[%dma_wait3A_68, %dma_wait3A_69] : memref<26000x128xf32, #tpu.memory_space<hbm>> -> memref<26000x128xf32, #tpu.memory_space<hbm>>
    tpu.wait_indirect_dma semaphore(%arg10 : memref<!tpu.dma_semaphore, #tpu.memory_space<semaphore_mem>>) src(%dma_wait3A_70 : memref<26000x128xf32, #tpu.memory_space<hbm>>) dst(%arg8 : memref<104x128xf32, #tpu.memory_space<vmem>>)
    %mul3A_71 = arith.constant 416 : i32
    %mul3A_72 = arith.muli %add3A, %mul3A_71 : i32
    %add3A_73 = arith.constant 312 : i32
    %add3A_74 = arith.addi %mul3A_72, %add3A_73 : i32
    %dma_start3A_75 = arith.constant 0 : i32
    %dma_start3A_76 = tpu.memref_slice %arg4[%add3A_74, %dma_start3A_75] : memref<13312x128xf32, #tpu.memory_space<hbm>> -> memref<104x128xf32, #tpu.memory_space<hbm>>
    %dma_start3A_77 = arith.constant 0 : i32
    %dma_start3A_78 = tpu.memref_slice %arg4[%add3A_74, %dma_start3A_77] : memref<13312x128xf32, #tpu.memory_space<hbm>> -> memref<104x128xf32, #tpu.memory_space<hbm>>
    tpu.enqueue_dma source(%arg8 : memref<104x128xf32, #tpu.memory_space<vmem>>) target(%dma_start3A_78 : memref<104x128xf32, #tpu.memory_space<hbm>>) target_semaphore(%arg12 : memref<!tpu.dma_semaphore, #tpu.memory_space<semaphore_mem>>)
    %dma_wait3A_79 = arith.constant 0 : i32
    %dma_wait3A_80 = tpu.memref_slice %arg4[%add3A_63, %dma_wait3A_79] : memref<13312x128xf32, #tpu.memory_space<hbm>> -> memref<104x128xf32, #tpu.memory_space<hbm>>
    %dma_wait3A_81 = arith.constant 0 : i32
    %dma_wait3A_82 = tpu.memref_slice %arg4[%add3A_63, %dma_wait3A_81] : memref<13312x128xf32, #tpu.memory_space<hbm>> -> memref<104x128xf32, #tpu.memory_space<hbm>>
    tpu.wait_dma2 semaphore(%arg11 : memref<!tpu.dma_semaphore, #tpu.memory_space<semaphore_mem>>) src(%arg7 : memref<104x128xf32, #tpu.memory_space<vmem>>) dst(%dma_wait3A_82 : memref<104x128xf32, #tpu.memory_space<hbm>>)
    %dma_wait3A_83 = arith.constant 0 : i32
    %dma_wait3A_84 = tpu.memref_slice %arg4[%add3A_74, %dma_wait3A_83] : memref<13312x128xf32, #tpu.memory_space<hbm>> -> memref<104x128xf32, #tpu.memory_space<hbm>>
    %dma_wait3A_85 = arith.constant 0 : i32
    %dma_wait3A_86 = tpu.memref_slice %arg4[%add3A_74, %dma_wait3A_85] : memref<13312x128xf32, #tpu.memory_space<hbm>> -> memref<104x128xf32, #tpu.memory_space<hbm>>
    tpu.wait_dma2 semaphore(%arg12 : memref<!tpu.dma_semaphore, #tpu.memory_space<semaphore_mem>>) src(%arg8 : memref<104x128xf32, #tpu.memory_space<vmem>>) dst(%dma_wait3A_86 : memref<104x128xf32, #tpu.memory_space<hbm>>)
    return
  }
}

module attributes {stable_mosaic.version = 14 : i64} {
  func.func @_tc_body(%arg0: i32, %arg1: memref<2x13x128x128xbf16, #tpu.memory_space<vmem>>, %arg2: memref<128x26xf32, #tpu.memory_space<vmem>>, %arg3: memref<26x1664xf32, #tpu.memory_space<vmem>>, %arg4: memref<128x512xbf16, #tpu.memory_space<vmem>>, %arg5: memref<1x512xf32, #tpu.memory_space<vmem>>, %arg6: memref<1x512xf32, #tpu.memory_space<vmem>>, %arg7: memref<1x512xf32, #tpu.memory_space<vmem>>, %arg8: memref<13x1x512xf32, #tpu.memory_space<vmem>>, %arg9: memref<6656x4096xbf16, #tpu.memory_space<vmem>>, %arg10: memref<1x4096xf32, #tpu.memory_space<vmem>>, %arg11: memref<1x4096xf32, #tpu.memory_space<vmem>>, %arg12: memref<1x4096xf32, #tpu.memory_space<vmem>>, %arg13: memref<128x4096xf32, #tpu.memory_space<vmem>>, %arg14: memref<128x6656xbf16, #tpu.memory_space<vmem>>) attributes {dimension_semantics = [#tpu.dimension_semantics<arbitrary>], iteration_bounds = array<i64: 4>, scalar_prefetch = 0 : i64, scratch_operands = 1 : i64, tpu.core_type = #tpu.core_type<tc>, window_params = [{transform_indices = @transform_0, window_bounds = array<i64: 2, 13, 128, 128>}, {transform_indices = @transform_1, window_bounds = array<i64: 128, 26>}, {pipeline_mode = #tpu.pipeline_mode<synchronous>, transform_indices = @transform_2, window_bounds = array<i64: 26, 1664>}, {pipeline_mode = #tpu.pipeline_mode<synchronous>, transform_indices = @transform_3, window_bounds = array<i64: 128, 512>}, {pipeline_mode = #tpu.pipeline_mode<synchronous>, transform_indices = @transform_4, window_bounds = array<i64: 1, 512>}, {pipeline_mode = #tpu.pipeline_mode<synchronous>, transform_indices = @transform_5, window_bounds = array<i64: 1, 512>}, {pipeline_mode = #tpu.pipeline_mode<synchronous>, transform_indices = @transform_6, window_bounds = array<i64: 1, 512>}, {pipeline_mode = #tpu.pipeline_mode<synchronous>, transform_indices = @transform_7, window_bounds = array<i64: 13, 1, 512>}, {pipeline_mode = #tpu.pipeline_mode<synchronous>, transform_indices = @transform_8, window_bounds = array<i64: 6656, 4096>}, {pipeline_mode = #tpu.pipeline_mode<synchronous>, transform_indices = @transform_9, window_bounds = array<i64: 1, 4096>}, {pipeline_mode = #tpu.pipeline_mode<synchronous>, transform_indices = @transform_10, window_bounds = array<i64: 1, 4096>}, {pipeline_mode = #tpu.pipeline_mode<synchronous>, transform_indices = @transform_11, window_bounds = array<i64: 1, 4096>}, {transform_indices = @transform_12, window_bounds = array<i64: 128, 4096>}]} {
    %broadcast_in_dim3A = arith.constant 0.000000e+00 : f32
    %broadcast_in_dim3A_0 = vector.broadcast %broadcast_in_dim3A : f32 to vector<128x1xf32>
    %get3A = arith.constant 0 : index
    %get3A_1 = arith.constant 0 : index
    %get3A_2 = vector.load %arg4[%get3A, %get3A_1] : memref<128x512xbf16, #tpu.memory_space<vmem>>, vector<128x512xbf16>
    %get3A_3 = arith.constant 0 : index
    %get3A_4 = arith.constant 0 : index
    %get3A_5 = vector.load %arg2[%get3A_3, %get3A_4] : memref<128x26xf32, #tpu.memory_space<vmem>>, vector<128x26xf32>
    %get3A_6 = arith.constant 0 : index
    %get3A_7 = arith.constant 0 : index
    %get3A_8 = vector.load %arg3[%get3A_6, %get3A_7] : memref<26x1664xf32, #tpu.memory_space<vmem>>, vector<26x1664xf32>
    %dot_general3A = arith.constant dense<0.000000e+00> : vector<128x1664xf32>
    %dot_general3A_9 = tpu.matmul %get3A_5, %get3A_8, %dot_general3A {dimension_numbers = #tpu.dot_dimension_numbers<[1], [0], [0], [1], [0, 0, 1, 1], [], []>, transpose_lhs_hint = false} : vector<128x26xf32>, vector<26x1664xf32>, vector<128x1664xf32> -> vector<128x1664xf32>
    %get3A_10 = arith.constant 0 : index
    %get3A_11 = arith.constant 0 : index
    %get3A_12 = arith.constant 0 : index
    %get3A_13 = arith.constant 0 : index
    %get3A_14 = vector.load %arg1[%get3A_10, %get3A_11, %get3A_12, %get3A_13] : memref<2x13x128x128xbf16, #tpu.memory_space<vmem>>, vector<1x1x128x128xbf16>
    %get3A_15 = vector.shape_cast %get3A_14 : vector<1x1x128x128xbf16> to vector<128x128xbf16>
    %get3A_16 = arith.constant 1 : index
    %get3A_17 = arith.constant 0 : index
    %get3A_18 = arith.constant 0 : index
    %get3A_19 = arith.constant 0 : index
    %get3A_20 = vector.load %arg1[%get3A_16, %get3A_17, %get3A_18, %get3A_19] : memref<2x13x128x128xbf16, #tpu.memory_space<vmem>>, vector<1x1x128x128xbf16>
    %get3A_21 = vector.shape_cast %get3A_20 : vector<1x1x128x128xbf16> to vector<128x128xbf16>
    %add3A = arith.addf %get3A_15, %get3A_21 : vector<128x128xbf16>
    %convert_element_type3A = arith.extf %add3A : vector<128x128xbf16> to vector<128x128xf32>
    %mul3A = arith.constant 5.000000e-01 : f32
    %mul3A_22 = vector.broadcast %mul3A : f32 to vector<128x128xf32>
    %mul3A_23 = arith.mulf %convert_element_type3A, %mul3A_22 : vector<128x128xf32>
    %slice3A = vector.extract_strided_slice %dot_general3A_9 {offsets = [0, 0], sizes = [128, 128], strides = [1, 1]} : vector<128x1664xf32> to vector<128x128xf32>
    %add3A_24 = arith.addf %mul3A_23, %slice3A : vector<128x128xf32>
    %convert_element_type3A_25 = arith.truncf %add3A_24 : vector<128x128xf32> to vector<128x128xbf16>
    %dot_general3A_26 = arith.constant dense<0.000000e+00> : vector<128x512xf32>
    %dot_general3A_27 = tpu.matmul %convert_element_type3A_25, %get3A_2, %dot_general3A_26 {dimension_numbers = #tpu.dot_dimension_numbers<[1], [0], [0], [1], [0, 0, 1, 1], [], []>, transpose_lhs_hint = false} : vector<128x128xbf16>, vector<128x512xbf16>, vector<128x512xf32> -> vector<128x512xf32>
    %get3A_28 = arith.constant 0 : index
    %get3A_29 = arith.constant 0 : index
    %get3A_30 = vector.load %arg5[%get3A_28, %get3A_29] : memref<1x512xf32, #tpu.memory_space<vmem>>, vector<1x512xf32>
    %add3A_31 = vector.broadcast %get3A_30 : vector<1x512xf32> to vector<128x512xf32>
    %add3A_32 = arith.addf %dot_general3A_27, %add3A_31 : vector<128x512xf32>
    %logistic3A = arith.negf %add3A_32 : vector<128x512xf32>
    %logistic3A_33 = math.exp %logistic3A : vector<128x512xf32>
    %logistic3A_34 = arith.constant 1.000000e+00 : f32
    %logistic3A_35 = vector.broadcast %logistic3A_34 : f32 to vector<128x512xf32>
    %logistic3A_36 = arith.addf %logistic3A_35, %logistic3A_33 : vector<128x512xf32>
    %logistic3A_37 = arith.divf %logistic3A_35, %logistic3A_36 : vector<128x512xf32>
    %mul3A_38 = arith.mulf %add3A_32, %logistic3A_37 : vector<128x512xf32>
    %reduce_sum3A = arith.constant dense<0.000000e+00> : vector<128xf32>
    %reduce_sum3A_39 = vector.multi_reduction <add>, %mul3A_38, %reduce_sum3A [1] : vector<128x512xf32> to vector<128xf32>
    %broadcast_in_dim3A_40 = vector.shape_cast %reduce_sum3A_39 : vector<128xf32> to vector<128x1xf32>
    %div3A = arith.constant 5.120000e+02 : f32
    %div3A_41 = vector.broadcast %div3A : f32 to vector<128x1xf32>
    %div3A_42 = arith.divf %broadcast_in_dim3A_40, %div3A_41 : vector<128x1xf32>
    %sub3A = vector.broadcast %div3A_42 : vector<128x1xf32> to vector<128x512xf32>
    %sub3A_43 = arith.subf %mul3A_38, %sub3A : vector<128x512xf32>
    %mul3A_44 = arith.mulf %sub3A_43, %sub3A_43 : vector<128x512xf32>
    %reduce_sum3A_45 = arith.constant dense<0.000000e+00> : vector<128xf32>
    %reduce_sum3A_46 = vector.multi_reduction <add>, %mul3A_44, %reduce_sum3A_45 [1] : vector<128x512xf32> to vector<128xf32>
    %broadcast_in_dim3A_47 = vector.shape_cast %reduce_sum3A_46 : vector<128xf32> to vector<128x1xf32>
    %div3A_48 = arith.constant 5.120000e+02 : f32
    %div3A_49 = vector.broadcast %div3A_48 : f32 to vector<128x1xf32>
    %div3A_50 = arith.divf %broadcast_in_dim3A_47, %div3A_49 : vector<128x1xf32>
    %add3A_51 = arith.constant 9.99999974E-6 : f32
    %add3A_52 = vector.broadcast %add3A_51 : f32 to vector<128x1xf32>
    %add3A_53 = arith.addf %div3A_50, %add3A_52 : vector<128x1xf32>
    %rsqrt3A = math.rsqrt %add3A_53 : vector<128x1xf32>
    %mul3A_54 = vector.broadcast %rsqrt3A : vector<128x1xf32> to vector<128x512xf32>
    %mul3A_55 = arith.mulf %sub3A_43, %mul3A_54 : vector<128x512xf32>
    %get3A_56 = arith.constant 0 : index
    %get3A_57 = arith.constant 0 : index
    %get3A_58 = vector.load %arg6[%get3A_56, %get3A_57] : memref<1x512xf32, #tpu.memory_space<vmem>>, vector<1x512xf32>
    %mul3A_59 = vector.broadcast %get3A_58 : vector<1x512xf32> to vector<128x512xf32>
    %mul3A_60 = arith.mulf %mul3A_55, %mul3A_59 : vector<128x512xf32>
    %get3A_61 = arith.constant 0 : index
    %get3A_62 = arith.constant 0 : index
    %get3A_63 = vector.load %arg7[%get3A_61, %get3A_62] : memref<1x512xf32, #tpu.memory_space<vmem>>, vector<1x512xf32>
    %add3A_64 = vector.broadcast %get3A_63 : vector<1x512xf32> to vector<128x512xf32>
    %add3A_65 = arith.addf %mul3A_60, %add3A_64 : vector<128x512xf32>
    %mul3A_66 = arith.mulf %add3A_65, %add3A_65 : vector<128x512xf32>
    %reduce_sum3A_67 = arith.constant dense<0.000000e+00> : vector<128xf32>
    %reduce_sum3A_68 = vector.multi_reduction <add>, %mul3A_66, %reduce_sum3A_67 [1] : vector<128x512xf32> to vector<128xf32>
    %broadcast_in_dim3A_69 = vector.shape_cast %reduce_sum3A_68 : vector<128xf32> to vector<128x1xf32>
    %add3A_70 = arith.addf %broadcast_in_dim3A_0, %broadcast_in_dim3A_69 : vector<128x1xf32>
    %get3A_71 = arith.constant 0 : index
    %get3A_72 = arith.constant 0 : index
    %get3A_73 = arith.constant 0 : index
    %get3A_74 = vector.load %arg8[%get3A_71, %get3A_72, %get3A_73] : memref<13x1x512xf32, #tpu.memory_space<vmem>>, vector<1x1x512xf32>
    %get3A_75 = vector.shape_cast %get3A_74 : vector<1x1x512xf32> to vector<1x512xf32>
    %mul3A_76 = vector.broadcast %get3A_75 : vector<1x512xf32> to vector<128x512xf32>
    %mul3A_77 = arith.mulf %add3A_65, %mul3A_76 : vector<128x512xf32>
    %convert_element_type3A_78 = arith.truncf %mul3A_77 : vector<128x512xf32> to vector<128x512xbf16>
    %swap3A = arith.constant 0 : index
    %swap3A_79 = arith.constant 0 : index
    %swap3A_80 = vector.load %arg14[%swap3A, %swap3A_79] : memref<128x6656xbf16, #tpu.memory_space<vmem>>, vector<128x512xbf16>
    tpu.vector_store %arg14[%swap3A, %swap3A_79], %convert_element_type3A_78 {strides = array<i32>} : memref<128x6656xbf16, #tpu.memory_space<vmem>>, vector<128x512xbf16>,
    %get3A_81 = arith.constant 0 : index
    %get3A_82 = arith.constant 1 : index
    %get3A_83 = arith.constant 0 : index
    %get3A_84 = arith.constant 0 : index
    %get3A_85 = vector.load %arg1[%get3A_81, %get3A_82, %get3A_83, %get3A_84] : memref<2x13x128x128xbf16, #tpu.memory_space<vmem>>, vector<1x1x128x128xbf16>
    %get3A_86 = vector.shape_cast %get3A_85 : vector<1x1x128x128xbf16> to vector<128x128xbf16>
    %get3A_87 = arith.constant 1 : index
    %get3A_88 = arith.constant 1 : index
    %get3A_89 = arith.constant 0 : index
    %get3A_90 = arith.constant 0 : index
    %get3A_91 = vector.load %arg1[%get3A_87, %get3A_88, %get3A_89, %get3A_90] : memref<2x13x128x128xbf16, #tpu.memory_space<vmem>>, vector<1x1x128x128xbf16>
    %get3A_92 = vector.shape_cast %get3A_91 : vector<1x1x128x128xbf16> to vector<128x128xbf16>
    %add3A_93 = arith.addf %get3A_86, %get3A_92 : vector<128x128xbf16>
    %convert_element_type3A_94 = arith.extf %add3A_93 : vector<128x128xbf16> to vector<128x128xf32>
    %mul3A_95 = arith.constant 5.000000e-01 : f32
    %mul3A_96 = vector.broadcast %mul3A_95 : f32 to vector<128x128xf32>
    %mul3A_97 = arith.mulf %convert_element_type3A_94, %mul3A_96 : vector<128x128xf32>
    %slice3A_98 = vector.extract_strided_slice %dot_general3A_9 {offsets = [0, 128], sizes = [128, 128], strides = [1, 1]} : vector<128x1664xf32> to vector<128x128xf32>
    %add3A_99 = arith.addf %mul3A_97, %slice3A_98 : vector<128x128xf32>
    %convert_element_type3A_100 = arith.truncf %add3A_99 : vector<128x128xf32> to vector<128x128xbf16>
    %dot_general3A_101 = arith.constant dense<0.000000e+00> : vector<128x512xf32>
    %dot_general3A_102 = tpu.matmul %convert_element_type3A_100, %get3A_2, %dot_general3A_101 {dimension_numbers = #tpu.dot_dimension_numbers<[1], [0], [0], [1], [0, 0, 1, 1], [], []>, transpose_lhs_hint = false} : vector<128x128xbf16>, vector<128x512xbf16>, vector<128x512xf32> -> vector<128x512xf32>
    %get3A_103 = arith.constant 0 : index
    %get3A_104 = arith.constant 0 : index
    %get3A_105 = vector.load %arg5[%get3A_103, %get3A_104] : memref<1x512xf32, #tpu.memory_space<vmem>>, vector<1x512xf32>
    %add3A_106 = vector.broadcast %get3A_105 : vector<1x512xf32> to vector<128x512xf32>
    %add3A_107 = arith.addf %dot_general3A_102, %add3A_106 : vector<128x512xf32>
    %logistic3A_108 = arith.negf %add3A_107 : vector<128x512xf32>
    %logistic3A_109 = math.exp %logistic3A_108 : vector<128x512xf32>
    %logistic3A_110 = arith.constant 1.000000e+00 : f32
    %logistic3A_111 = vector.broadcast %logistic3A_110 : f32 to vector<128x512xf32>
    %logistic3A_112 = arith.addf %logistic3A_111, %logistic3A_109 : vector<128x512xf32>
    %logistic3A_113 = arith.divf %logistic3A_111, %logistic3A_112 : vector<128x512xf32>
    %mul3A_114 = arith.mulf %add3A_107, %logistic3A_113 : vector<128x512xf32>
    %reduce_sum3A_115 = arith.constant dense<0.000000e+00> : vector<128xf32>
    %reduce_sum3A_116 = vector.multi_reduction <add>, %mul3A_114, %reduce_sum3A_115 [1] : vector<128x512xf32> to vector<128xf32>
    %broadcast_in_dim3A_117 = vector.shape_cast %reduce_sum3A_116 : vector<128xf32> to vector<128x1xf32>
    %div3A_118 = arith.constant 5.120000e+02 : f32
    %div3A_119 = vector.broadcast %div3A_118 : f32 to vector<128x1xf32>
    %div3A_120 = arith.divf %broadcast_in_dim3A_117, %div3A_119 : vector<128x1xf32>
    %sub3A_121 = vector.broadcast %div3A_120 : vector<128x1xf32> to vector<128x512xf32>
    %sub3A_122 = arith.subf %mul3A_114, %sub3A_121 : vector<128x512xf32>
    %mul3A_123 = arith.mulf %sub3A_122, %sub3A_122 : vector<128x512xf32>
    %reduce_sum3A_124 = arith.constant dense<0.000000e+00> : vector<128xf32>
    %reduce_sum3A_125 = vector.multi_reduction <add>, %mul3A_123, %reduce_sum3A_124 [1] : vector<128x512xf32> to vector<128xf32>
    %broadcast_in_dim3A_126 = vector.shape_cast %reduce_sum3A_125 : vector<128xf32> to vector<128x1xf32>
    %div3A_127 = arith.constant 5.120000e+02 : f32
    %div3A_128 = vector.broadcast %div3A_127 : f32 to vector<128x1xf32>
    %div3A_129 = arith.divf %broadcast_in_dim3A_126, %div3A_128 : vector<128x1xf32>
    %add3A_130 = arith.constant 9.99999974E-6 : f32
    %add3A_131 = vector.broadcast %add3A_130 : f32 to vector<128x1xf32>
    %add3A_132 = arith.addf %div3A_129, %add3A_131 : vector<128x1xf32>
    %rsqrt3A_133 = math.rsqrt %add3A_132 : vector<128x1xf32>
    %mul3A_134 = vector.broadcast %rsqrt3A_133 : vector<128x1xf32> to vector<128x512xf32>
    %mul3A_135 = arith.mulf %sub3A_122, %mul3A_134 : vector<128x512xf32>
    %get3A_136 = arith.constant 0 : index
    %get3A_137 = arith.constant 0 : index
    %get3A_138 = vector.load %arg6[%get3A_136, %get3A_137] : memref<1x512xf32, #tpu.memory_space<vmem>>, vector<1x512xf32>
    %mul3A_139 = vector.broadcast %get3A_138 : vector<1x512xf32> to vector<128x512xf32>
    %mul3A_140 = arith.mulf %mul3A_135, %mul3A_139 : vector<128x512xf32>
    %get3A_141 = arith.constant 0 : index
    %get3A_142 = arith.constant 0 : index
    %get3A_143 = vector.load %arg7[%get3A_141, %get3A_142] : memref<1x512xf32, #tpu.memory_space<vmem>>, vector<1x512xf32>
    %add3A_144 = vector.broadcast %get3A_143 : vector<1x512xf32> to vector<128x512xf32>
    %add3A_145 = arith.addf %mul3A_140, %add3A_144 : vector<128x512xf32>
    %mul3A_146 = arith.mulf %add3A_145, %add3A_145 : vector<128x512xf32>
    %reduce_sum3A_147 = arith.constant dense<0.000000e+00> : vector<128xf32>
    %reduce_sum3A_148 = vector.multi_reduction <add>, %mul3A_146, %reduce_sum3A_147 [1] : vector<128x512xf32> to vector<128xf32>
    %broadcast_in_dim3A_149 = vector.shape_cast %reduce_sum3A_148 : vector<128xf32> to vector<128x1xf32>
    %add3A_150 = arith.addf %add3A_70, %broadcast_in_dim3A_149 : vector<128x1xf32>
    %get3A_151 = arith.constant 1 : index
    %get3A_152 = arith.constant 0 : index
    %get3A_153 = arith.constant 0 : index
    %get3A_154 = vector.load %arg8[%get3A_151, %get3A_152, %get3A_153] : memref<13x1x512xf32, #tpu.memory_space<vmem>>, vector<1x1x512xf32>
    %get3A_155 = vector.shape_cast %get3A_154 : vector<1x1x512xf32> to vector<1x512xf32>
    %mul3A_156 = vector.broadcast %get3A_155 : vector<1x512xf32> to vector<128x512xf32>
    %mul3A_157 = arith.mulf %add3A_145, %mul3A_156 : vector<128x512xf32>
    %convert_element_type3A_158 = arith.truncf %mul3A_157 : vector<128x512xf32> to vector<128x512xbf16>
    %swap3A_159 = arith.constant 0 : index
    %swap3A_160 = arith.constant 512 : index
    %swap3A_161 = vector.load %arg14[%swap3A_159, %swap3A_160] : memref<128x6656xbf16, #tpu.memory_space<vmem>>, vector<128x512xbf16>
    tpu.vector_store %arg14[%swap3A_159, %swap3A_160], %convert_element_type3A_158 {strides = array<i32>} : memref<128x6656xbf16, #tpu.memory_space<vmem>>, vector<128x512xbf16>,
    %get3A_162 = arith.constant 0 : index
    %get3A_163 = arith.constant 2 : index
    %get3A_164 = arith.constant 0 : index
    %get3A_165 = arith.constant 0 : index
    %get3A_166 = vector.load %arg1[%get3A_162, %get3A_163, %get3A_164, %get3A_165] : memref<2x13x128x128xbf16, #tpu.memory_space<vmem>>, vector<1x1x128x128xbf16>
    %get3A_167 = vector.shape_cast %get3A_166 : vector<1x1x128x128xbf16> to vector<128x128xbf16>
    %get3A_168 = arith.constant 1 : index
    %get3A_169 = arith.constant 2 : index
    %get3A_170 = arith.constant 0 : index
    %get3A_171 = arith.constant 0 : index
    %get3A_172 = vector.load %arg1[%get3A_168, %get3A_169, %get3A_170, %get3A_171] : memref<2x13x128x128xbf16, #tpu.memory_space<vmem>>, vector<1x1x128x128xbf16>
    %get3A_173 = vector.shape_cast %get3A_172 : vector<1x1x128x128xbf16> to vector<128x128xbf16>
    %add3A_174 = arith.addf %get3A_167, %get3A_173 : vector<128x128xbf16>
    %convert_element_type3A_175 = arith.extf %add3A_174 : vector<128x128xbf16> to vector<128x128xf32>
    %mul3A_176 = arith.constant 5.000000e-01 : f32
    %mul3A_177 = vector.broadcast %mul3A_176 : f32 to vector<128x128xf32>
    %mul3A_178 = arith.mulf %convert_element_type3A_175, %mul3A_177 : vector<128x128xf32>
    %slice3A_179 = vector.extract_strided_slice %dot_general3A_9 {offsets = [0, 256], sizes = [128, 128], strides = [1, 1]} : vector<128x1664xf32> to vector<128x128xf32>
    %add3A_180 = arith.addf %mul3A_178, %slice3A_179 : vector<128x128xf32>
    %convert_element_type3A_181 = arith.truncf %add3A_180 : vector<128x128xf32> to vector<128x128xbf16>
    %dot_general3A_182 = arith.constant dense<0.000000e+00> : vector<128x512xf32>
    %dot_general3A_183 = tpu.matmul %convert_element_type3A_181, %get3A_2, %dot_general3A_182 {dimension_numbers = #tpu.dot_dimension_numbers<[1], [0], [0], [1], [0, 0, 1, 1], [], []>, transpose_lhs_hint = false} : vector<128x128xbf16>, vector<128x512xbf16>, vector<128x512xf32> -> vector<128x512xf32>
    %get3A_184 = arith.constant 0 : index
    %get3A_185 = arith.constant 0 : index
    %get3A_186 = vector.load %arg5[%get3A_184, %get3A_185] : memref<1x512xf32, #tpu.memory_space<vmem>>, vector<1x512xf32>
    %add3A_187 = vector.broadcast %get3A_186 : vector<1x512xf32> to vector<128x512xf32>
    %add3A_188 = arith.addf %dot_general3A_183, %add3A_187 : vector<128x512xf32>
    %logistic3A_189 = arith.negf %add3A_188 : vector<128x512xf32>
    %logistic3A_190 = math.exp %logistic3A_189 : vector<128x512xf32>
    %logistic3A_191 = arith.constant 1.000000e+00 : f32
    %logistic3A_192 = vector.broadcast %logistic3A_191 : f32 to vector<128x512xf32>
    %logistic3A_193 = arith.addf %logistic3A_192, %logistic3A_190 : vector<128x512xf32>
    %logistic3A_194 = arith.divf %logistic3A_192, %logistic3A_193 : vector<128x512xf32>
    %mul3A_195 = arith.mulf %add3A_188, %logistic3A_194 : vector<128x512xf32>
    %reduce_sum3A_196 = arith.constant dense<0.000000e+00> : vector<128xf32>
    %reduce_sum3A_197 = vector.multi_reduction <add>, %mul3A_195, %reduce_sum3A_196 [1] : vector<128x512xf32> to vector<128xf32>
    %broadcast_in_dim3A_198 = vector.shape_cast %reduce_sum3A_197 : vector<128xf32> to vector<128x1xf32>
    %div3A_199 = arith.constant 5.120000e+02 : f32
    %div3A_200 = vector.broadcast %div3A_199 : f32 to vector<128x1xf32>
    %div3A_201 = arith.divf %broadcast_in_dim3A_198, %div3A_200 : vector<128x1xf32>
    %sub3A_202 = vector.broadcast %div3A_201 : vector<128x1xf32> to vector<128x512xf32>
    %sub3A_203 = arith.subf %mul3A_195, %sub3A_202 : vector<128x512xf32>
    %mul3A_204 = arith.mulf %sub3A_203, %sub3A_203 : vector<128x512xf32>
    %reduce_sum3A_205 = arith.constant dense<0.000000e+00> : vector<128xf32>
    %reduce_sum3A_206 = vector.multi_reduction <add>, %mul3A_204, %reduce_sum3A_205 [1] : vector<128x512xf32> to vector<128xf32>
    %broadcast_in_dim3A_207 = vector.shape_cast %reduce_sum3A_206 : vector<128xf32> to vector<128x1xf32>
    %div3A_208 = arith.constant 5.120000e+02 : f32
    %div3A_209 = vector.broadcast %div3A_208 : f32 to vector<128x1xf32>
    %div3A_210 = arith.divf %broadcast_in_dim3A_207, %div3A_209 : vector<128x1xf32>
    %add3A_211 = arith.constant 9.99999974E-6 : f32
    %add3A_212 = vector.broadcast %add3A_211 : f32 to vector<128x1xf32>
    %add3A_213 = arith.addf %div3A_210, %add3A_212 : vector<128x1xf32>
    %rsqrt3A_214 = math.rsqrt %add3A_213 : vector<128x1xf32>
    %mul3A_215 = vector.broadcast %rsqrt3A_214 : vector<128x1xf32> to vector<128x512xf32>
    %mul3A_216 = arith.mulf %sub3A_203, %mul3A_215 : vector<128x512xf32>
    %get3A_217 = arith.constant 0 : index
    %get3A_218 = arith.constant 0 : index
    %get3A_219 = vector.load %arg6[%get3A_217, %get3A_218] : memref<1x512xf32, #tpu.memory_space<vmem>>, vector<1x512xf32>
    %mul3A_220 = vector.broadcast %get3A_219 : vector<1x512xf32> to vector<128x512xf32>
    %mul3A_221 = arith.mulf %mul3A_216, %mul3A_220 : vector<128x512xf32>
    %get3A_222 = arith.constant 0 : index
    %get3A_223 = arith.constant 0 : index
    %get3A_224 = vector.load %arg7[%get3A_222, %get3A_223] : memref<1x512xf32, #tpu.memory_space<vmem>>, vector<1x512xf32>
    %add3A_225 = vector.broadcast %get3A_224 : vector<1x512xf32> to vector<128x512xf32>
    %add3A_226 = arith.addf %mul3A_221, %add3A_225 : vector<128x512xf32>
    %mul3A_227 = arith.mulf %add3A_226, %add3A_226 : vector<128x512xf32>
    %reduce_sum3A_228 = arith.constant dense<0.000000e+00> : vector<128xf32>
    %reduce_sum3A_229 = vector.multi_reduction <add>, %mul3A_227, %reduce_sum3A_228 [1] : vector<128x512xf32> to vector<128xf32>
    %broadcast_in_dim3A_230 = vector.shape_cast %reduce_sum3A_229 : vector<128xf32> to vector<128x1xf32>
    %add3A_231 = arith.addf %add3A_150, %broadcast_in_dim3A_230 : vector<128x1xf32>
    %get3A_232 = arith.constant 2 : index
    %get3A_233 = arith.constant 0 : index
    %get3A_234 = arith.constant 0 : index
    %get3A_235 = vector.load %arg8[%get3A_232, %get3A_233, %get3A_234] : memref<13x1x512xf32, #tpu.memory_space<vmem>>, vector<1x1x512xf32>
    %get3A_236 = vector.shape_cast %get3A_235 : vector<1x1x512xf32> to vector<1x512xf32>
    %mul3A_237 = vector.broadcast %get3A_236 : vector<1x512xf32> to vector<128x512xf32>
    %mul3A_238 = arith.mulf %add3A_226, %mul3A_237 : vector<128x512xf32>
    %convert_element_type3A_239 = arith.truncf %mul3A_238 : vector<128x512xf32> to vector<128x512xbf16>
    %swap3A_240 = arith.constant 0 : index
    %swap3A_241 = arith.constant 1024 : index
    %swap3A_242 = vector.load %arg14[%swap3A_240, %swap3A_241] : memref<128x6656xbf16, #tpu.memory_space<vmem>>, vector<128x512xbf16>
    tpu.vector_store %arg14[%swap3A_240, %swap3A_241], %convert_element_type3A_239 {strides = array<i32>} : memref<128x6656xbf16, #tpu.memory_space<vmem>>, vector<128x512xbf16>,
    %get3A_243 = arith.constant 0 : index
    %get3A_244 = arith.constant 3 : index
    %get3A_245 = arith.constant 0 : index
    %get3A_246 = arith.constant 0 : index
    %get3A_247 = vector.load %arg1[%get3A_243, %get3A_244, %get3A_245, %get3A_246] : memref<2x13x128x128xbf16, #tpu.memory_space<vmem>>, vector<1x1x128x128xbf16>
    %get3A_248 = vector.shape_cast %get3A_247 : vector<1x1x128x128xbf16> to vector<128x128xbf16>
    %get3A_249 = arith.constant 1 : index
    %get3A_250 = arith.constant 3 : index
    %get3A_251 = arith.constant 0 : index
    %get3A_252 = arith.constant 0 : index
    %get3A_253 = vector.load %arg1[%get3A_249, %get3A_250, %get3A_251, %get3A_252] : memref<2x13x128x128xbf16, #tpu.memory_space<vmem>>, vector<1x1x128x128xbf16>
    %get3A_254 = vector.shape_cast %get3A_253 : vector<1x1x128x128xbf16> to vector<128x128xbf16>
    %add3A_255 = arith.addf %get3A_248, %get3A_254 : vector<128x128xbf16>
    %convert_element_type3A_256 = arith.extf %add3A_255 : vector<128x128xbf16> to vector<128x128xf32>
    %mul3A_257 = arith.constant 5.000000e-01 : f32
    %mul3A_258 = vector.broadcast %mul3A_257 : f32 to vector<128x128xf32>
    %mul3A_259 = arith.mulf %convert_element_type3A_256, %mul3A_258 : vector<128x128xf32>
    %slice3A_260 = vector.extract_strided_slice %dot_general3A_9 {offsets = [0, 384], sizes = [128, 128], strides = [1, 1]} : vector<128x1664xf32> to vector<128x128xf32>
    %add3A_261 = arith.addf %mul3A_259, %slice3A_260 : vector<128x128xf32>
    %convert_element_type3A_262 = arith.truncf %add3A_261 : vector<128x128xf32> to vector<128x128xbf16>
    %dot_general3A_263 = arith.constant dense<0.000000e+00> : vector<128x512xf32>
    %dot_general3A_264 = tpu.matmul %convert_element_type3A_262, %get3A_2, %dot_general3A_263 {dimension_numbers = #tpu.dot_dimension_numbers<[1], [0], [0], [1], [0, 0, 1, 1], [], []>, transpose_lhs_hint = false} : vector<128x128xbf16>, vector<128x512xbf16>, vector<128x512xf32> -> vector<128x512xf32>
    %get3A_265 = arith.constant 0 : index
    %get3A_266 = arith.constant 0 : index
    %get3A_267 = vector.load %arg5[%get3A_265, %get3A_266] : memref<1x512xf32, #tpu.memory_space<vmem>>, vector<1x512xf32>
    %add3A_268 = vector.broadcast %get3A_267 : vector<1x512xf32> to vector<128x512xf32>
    %add3A_269 = arith.addf %dot_general3A_264, %add3A_268 : vector<128x512xf32>
    %logistic3A_270 = arith.negf %add3A_269 : vector<128x512xf32>
    %logistic3A_271 = math.exp %logistic3A_270 : vector<128x512xf32>
    %logistic3A_272 = arith.constant 1.000000e+00 : f32
    %logistic3A_273 = vector.broadcast %logistic3A_272 : f32 to vector<128x512xf32>
    %logistic3A_274 = arith.addf %logistic3A_273, %logistic3A_271 : vector<128x512xf32>
    %logistic3A_275 = arith.divf %logistic3A_273, %logistic3A_274 : vector<128x512xf32>
    %mul3A_276 = arith.mulf %add3A_269, %logistic3A_275 : vector<128x512xf32>
    %reduce_sum3A_277 = arith.constant dense<0.000000e+00> : vector<128xf32>
    %reduce_sum3A_278 = vector.multi_reduction <add>, %mul3A_276, %reduce_sum3A_277 [1] : vector<128x512xf32> to vector<128xf32>
    %broadcast_in_dim3A_279 = vector.shape_cast %reduce_sum3A_278 : vector<128xf32> to vector<128x1xf32>
    %div3A_280 = arith.constant 5.120000e+02 : f32
    %div3A_281 = vector.broadcast %div3A_280 : f32 to vector<128x1xf32>
    %div3A_282 = arith.divf %broadcast_in_dim3A_279, %div3A_281 : vector<128x1xf32>
    %sub3A_283 = vector.broadcast %div3A_282 : vector<128x1xf32> to vector<128x512xf32>
    %sub3A_284 = arith.subf %mul3A_276, %sub3A_283 : vector<128x512xf32>
    %mul3A_285 = arith.mulf %sub3A_284, %sub3A_284 : vector<128x512xf32>
    %reduce_sum3A_286 = arith.constant dense<0.000000e+00> : vector<128xf32>
    %reduce_sum3A_287 = vector.multi_reduction <add>, %mul3A_285, %reduce_sum3A_286 [1] : vector<128x512xf32> to vector<128xf32>
    %broadcast_in_dim3A_288 = vector.shape_cast %reduce_sum3A_287 : vector<128xf32> to vector<128x1xf32>
    %div3A_289 = arith.constant 5.120000e+02 : f32
    %div3A_290 = vector.broadcast %div3A_289 : f32 to vector<128x1xf32>
    %div3A_291 = arith.divf %broadcast_in_dim3A_288, %div3A_290 : vector<128x1xf32>
    %add3A_292 = arith.constant 9.99999974E-6 : f32
    %add3A_293 = vector.broadcast %add3A_292 : f32 to vector<128x1xf32>
    %add3A_294 = arith.addf %div3A_291, %add3A_293 : vector<128x1xf32>
    %rsqrt3A_295 = math.rsqrt %add3A_294 : vector<128x1xf32>
    %mul3A_296 = vector.broadcast %rsqrt3A_295 : vector<128x1xf32> to vector<128x512xf32>
    %mul3A_297 = arith.mulf %sub3A_284, %mul3A_296 : vector<128x512xf32>
    %get3A_298 = arith.constant 0 : index
    %get3A_299 = arith.constant 0 : index
    %get3A_300 = vector.load %arg6[%get3A_298, %get3A_299] : memref<1x512xf32, #tpu.memory_space<vmem>>, vector<1x512xf32>
    %mul3A_301 = vector.broadcast %get3A_300 : vector<1x512xf32> to vector<128x512xf32>
    %mul3A_302 = arith.mulf %mul3A_297, %mul3A_301 : vector<128x512xf32>
    %get3A_303 = arith.constant 0 : index
    %get3A_304 = arith.constant 0 : index
    %get3A_305 = vector.load %arg7[%get3A_303, %get3A_304] : memref<1x512xf32, #tpu.memory_space<vmem>>, vector<1x512xf32>
    %add3A_306 = vector.broadcast %get3A_305 : vector<1x512xf32> to vector<128x512xf32>
    %add3A_307 = arith.addf %mul3A_302, %add3A_306 : vector<128x512xf32>
    %mul3A_308 = arith.mulf %add3A_307, %add3A_307 : vector<128x512xf32>
    %reduce_sum3A_309 = arith.constant dense<0.000000e+00> : vector<128xf32>
    %reduce_sum3A_310 = vector.multi_reduction <add>, %mul3A_308, %reduce_sum3A_309 [1] : vector<128x512xf32> to vector<128xf32>
    %broadcast_in_dim3A_311 = vector.shape_cast %reduce_sum3A_310 : vector<128xf32> to vector<128x1xf32>
    %add3A_312 = arith.addf %add3A_231, %broadcast_in_dim3A_311 : vector<128x1xf32>
    %get3A_313 = arith.constant 3 : index
    %get3A_314 = arith.constant 0 : index
    %get3A_315 = arith.constant 0 : index
    %get3A_316 = vector.load %arg8[%get3A_313, %get3A_314, %get3A_315] : memref<13x1x512xf32, #tpu.memory_space<vmem>>, vector<1x1x512xf32>
    %get3A_317 = vector.shape_cast %get3A_316 : vector<1x1x512xf32> to vector<1x512xf32>
    %mul3A_318 = vector.broadcast %get3A_317 : vector<1x512xf32> to vector<128x512xf32>
    %mul3A_319 = arith.mulf %add3A_307, %mul3A_318 : vector<128x512xf32>
    %convert_element_type3A_320 = arith.truncf %mul3A_319 : vector<128x512xf32> to vector<128x512xbf16>
    %swap3A_321 = arith.constant 0 : index
    %swap3A_322 = arith.constant 1536 : index
    %swap3A_323 = vector.load %arg14[%swap3A_321, %swap3A_322] : memref<128x6656xbf16, #tpu.memory_space<vmem>>, vector<128x512xbf16>
    tpu.vector_store %arg14[%swap3A_321, %swap3A_322], %convert_element_type3A_320 {strides = array<i32>} : memref<128x6656xbf16, #tpu.memory_space<vmem>>, vector<128x512xbf16>,
    %get3A_324 = arith.constant 0 : index
    %get3A_325 = arith.constant 4 : index
    %get3A_326 = arith.constant 0 : index
    %get3A_327 = arith.constant 0 : index
    %get3A_328 = vector.load %arg1[%get3A_324, %get3A_325, %get3A_326, %get3A_327] : memref<2x13x128x128xbf16, #tpu.memory_space<vmem>>, vector<1x1x128x128xbf16>
    %get3A_329 = vector.shape_cast %get3A_328 : vector<1x1x128x128xbf16> to vector<128x128xbf16>
    %get3A_330 = arith.constant 1 : index
    %get3A_331 = arith.constant 4 : index
    %get3A_332 = arith.constant 0 : index
    %get3A_333 = arith.constant 0 : index
    %get3A_334 = vector.load %arg1[%get3A_330, %get3A_331, %get3A_332, %get3A_333] : memref<2x13x128x128xbf16, #tpu.memory_space<vmem>>, vector<1x1x128x128xbf16>
    %get3A_335 = vector.shape_cast %get3A_334 : vector<1x1x128x128xbf16> to vector<128x128xbf16>
    %add3A_336 = arith.addf %get3A_329, %get3A_335 : vector<128x128xbf16>
    %convert_element_type3A_337 = arith.extf %add3A_336 : vector<128x128xbf16> to vector<128x128xf32>
    %mul3A_338 = arith.constant 5.000000e-01 : f32
    %mul3A_339 = vector.broadcast %mul3A_338 : f32 to vector<128x128xf32>
    %mul3A_340 = arith.mulf %convert_element_type3A_337, %mul3A_339 : vector<128x128xf32>
    %slice3A_341 = vector.extract_strided_slice %dot_general3A_9 {offsets = [0, 512], sizes = [128, 128], strides = [1, 1]} : vector<128x1664xf32> to vector<128x128xf32>
    %add3A_342 = arith.addf %mul3A_340, %slice3A_341 : vector<128x128xf32>
    %convert_element_type3A_343 = arith.truncf %add3A_342 : vector<128x128xf32> to vector<128x128xbf16>
    %dot_general3A_344 = arith.constant dense<0.000000e+00> : vector<128x512xf32>
    %dot_general3A_345 = tpu.matmul %convert_element_type3A_343, %get3A_2, %dot_general3A_344 {dimension_numbers = #tpu.dot_dimension_numbers<[1], [0], [0], [1], [0, 0, 1, 1], [], []>, transpose_lhs_hint = false} : vector<128x128xbf16>, vector<128x512xbf16>, vector<128x512xf32> -> vector<128x512xf32>
    %get3A_346 = arith.constant 0 : index
    %get3A_347 = arith.constant 0 : index
    %get3A_348 = vector.load %arg5[%get3A_346, %get3A_347] : memref<1x512xf32, #tpu.memory_space<vmem>>, vector<1x512xf32>
    %add3A_349 = vector.broadcast %get3A_348 : vector<1x512xf32> to vector<128x512xf32>
    %add3A_350 = arith.addf %dot_general3A_345, %add3A_349 : vector<128x512xf32>
    %logistic3A_351 = arith.negf %add3A_350 : vector<128x512xf32>
    %logistic3A_352 = math.exp %logistic3A_351 : vector<128x512xf32>
    %logistic3A_353 = arith.constant 1.000000e+00 : f32
    %logistic3A_354 = vector.broadcast %logistic3A_353 : f32 to vector<128x512xf32>
    %logistic3A_355 = arith.addf %logistic3A_354, %logistic3A_352 : vector<128x512xf32>
    %logistic3A_356 = arith.divf %logistic3A_354, %logistic3A_355 : vector<128x512xf32>
    %mul3A_357 = arith.mulf %add3A_350, %logistic3A_356 : vector<128x512xf32>
    %reduce_sum3A_358 = arith.constant dense<0.000000e+00> : vector<128xf32>
    %reduce_sum3A_359 = vector.multi_reduction <add>, %mul3A_357, %reduce_sum3A_358 [1] : vector<128x512xf32> to vector<128xf32>
    %broadcast_in_dim3A_360 = vector.shape_cast %reduce_sum3A_359 : vector<128xf32> to vector<128x1xf32>
    %div3A_361 = arith.constant 5.120000e+02 : f32
    %div3A_362 = vector.broadcast %div3A_361 : f32 to vector<128x1xf32>
    %div3A_363 = arith.divf %broadcast_in_dim3A_360, %div3A_362 : vector<128x1xf32>
    %sub3A_364 = vector.broadcast %div3A_363 : vector<128x1xf32> to vector<128x512xf32>
    %sub3A_365 = arith.subf %mul3A_357, %sub3A_364 : vector<128x512xf32>
    %mul3A_366 = arith.mulf %sub3A_365, %sub3A_365 : vector<128x512xf32>
    %reduce_sum3A_367 = arith.constant dense<0.000000e+00> : vector<128xf32>
    %reduce_sum3A_368 = vector.multi_reduction <add>, %mul3A_366, %reduce_sum3A_367 [1] : vector<128x512xf32> to vector<128xf32>
    %broadcast_in_dim3A_369 = vector.shape_cast %reduce_sum3A_368 : vector<128xf32> to vector<128x1xf32>
    %div3A_370 = arith.constant 5.120000e+02 : f32
    %div3A_371 = vector.broadcast %div3A_370 : f32 to vector<128x1xf32>
    %div3A_372 = arith.divf %broadcast_in_dim3A_369, %div3A_371 : vector<128x1xf32>
    %add3A_373 = arith.constant 9.99999974E-6 : f32
    %add3A_374 = vector.broadcast %add3A_373 : f32 to vector<128x1xf32>
    %add3A_375 = arith.addf %div3A_372, %add3A_374 : vector<128x1xf32>
    %rsqrt3A_376 = math.rsqrt %add3A_375 : vector<128x1xf32>
    %mul3A_377 = vector.broadcast %rsqrt3A_376 : vector<128x1xf32> to vector<128x512xf32>
    %mul3A_378 = arith.mulf %sub3A_365, %mul3A_377 : vector<128x512xf32>
    %get3A_379 = arith.constant 0 : index
    %get3A_380 = arith.constant 0 : index
    %get3A_381 = vector.load %arg6[%get3A_379, %get3A_380] : memref<1x512xf32, #tpu.memory_space<vmem>>, vector<1x512xf32>
    %mul3A_382 = vector.broadcast %get3A_381 : vector<1x512xf32> to vector<128x512xf32>
    %mul3A_383 = arith.mulf %mul3A_378, %mul3A_382 : vector<128x512xf32>
    %get3A_384 = arith.constant 0 : index
    %get3A_385 = arith.constant 0 : index
    %get3A_386 = vector.load %arg7[%get3A_384, %get3A_385] : memref<1x512xf32, #tpu.memory_space<vmem>>, vector<1x512xf32>
    %add3A_387 = vector.broadcast %get3A_386 : vector<1x512xf32> to vector<128x512xf32>
    %add3A_388 = arith.addf %mul3A_383, %add3A_387 : vector<128x512xf32>
    %mul3A_389 = arith.mulf %add3A_388, %add3A_388 : vector<128x512xf32>
    %reduce_sum3A_390 = arith.constant dense<0.000000e+00> : vector<128xf32>
    %reduce_sum3A_391 = vector.multi_reduction <add>, %mul3A_389, %reduce_sum3A_390 [1] : vector<128x512xf32> to vector<128xf32>
    %broadcast_in_dim3A_392 = vector.shape_cast %reduce_sum3A_391 : vector<128xf32> to vector<128x1xf32>
    %add3A_393 = arith.addf %add3A_312, %broadcast_in_dim3A_392 : vector<128x1xf32>
    %get3A_394 = arith.constant 4 : index
    %get3A_395 = arith.constant 0 : index
    %get3A_396 = arith.constant 0 : index
    %get3A_397 = vector.load %arg8[%get3A_394, %get3A_395, %get3A_396] : memref<13x1x512xf32, #tpu.memory_space<vmem>>, vector<1x1x512xf32>
    %get3A_398 = vector.shape_cast %get3A_397 : vector<1x1x512xf32> to vector<1x512xf32>
    %mul3A_399 = vector.broadcast %get3A_398 : vector<1x512xf32> to vector<128x512xf32>
    %mul3A_400 = arith.mulf %add3A_388, %mul3A_399 : vector<128x512xf32>
    %convert_element_type3A_401 = arith.truncf %mul3A_400 : vector<128x512xf32> to vector<128x512xbf16>
    %swap3A_402 = arith.constant 0 : index
    %swap3A_403 = arith.constant 2048 : index
    %swap3A_404 = vector.load %arg14[%swap3A_402, %swap3A_403] : memref<128x6656xbf16, #tpu.memory_space<vmem>>, vector<128x512xbf16>
    tpu.vector_store %arg14[%swap3A_402, %swap3A_403], %convert_element_type3A_401 {strides = array<i32>} : memref<128x6656xbf16, #tpu.memory_space<vmem>>, vector<128x512xbf16>,
    %get3A_405 = arith.constant 0 : index
    %get3A_406 = arith.constant 5 : index
    %get3A_407 = arith.constant 0 : index
    %get3A_408 = arith.constant 0 : index
    %get3A_409 = vector.load %arg1[%get3A_405, %get3A_406, %get3A_407, %get3A_408] : memref<2x13x128x128xbf16, #tpu.memory_space<vmem>>, vector<1x1x128x128xbf16>
    %get3A_410 = vector.shape_cast %get3A_409 : vector<1x1x128x128xbf16> to vector<128x128xbf16>
    %get3A_411 = arith.constant 1 : index
    %get3A_412 = arith.constant 5 : index
    %get3A_413 = arith.constant 0 : index
    %get3A_414 = arith.constant 0 : index
    %get3A_415 = vector.load %arg1[%get3A_411, %get3A_412, %get3A_413, %get3A_414] : memref<2x13x128x128xbf16, #tpu.memory_space<vmem>>, vector<1x1x128x128xbf16>
    %get3A_416 = vector.shape_cast %get3A_415 : vector<1x1x128x128xbf16> to vector<128x128xbf16>
    %add3A_417 = arith.addf %get3A_410, %get3A_416 : vector<128x128xbf16>
    %convert_element_type3A_418 = arith.extf %add3A_417 : vector<128x128xbf16> to vector<128x128xf32>
    %mul3A_419 = arith.constant 5.000000e-01 : f32
    %mul3A_420 = vector.broadcast %mul3A_419 : f32 to vector<128x128xf32>
    %mul3A_421 = arith.mulf %convert_element_type3A_418, %mul3A_420 : vector<128x128xf32>
    %slice3A_422 = vector.extract_strided_slice %dot_general3A_9 {offsets = [0, 640], sizes = [128, 128], strides = [1, 1]} : vector<128x1664xf32> to vector<128x128xf32>
    %add3A_423 = arith.addf %mul3A_421, %slice3A_422 : vector<128x128xf32>
    %convert_element_type3A_424 = arith.truncf %add3A_423 : vector<128x128xf32> to vector<128x128xbf16>
    %dot_general3A_425 = arith.constant dense<0.000000e+00> : vector<128x512xf32>
    %dot_general3A_426 = tpu.matmul %convert_element_type3A_424, %get3A_2, %dot_general3A_425 {dimension_numbers = #tpu.dot_dimension_numbers<[1], [0], [0], [1], [0, 0, 1, 1], [], []>, transpose_lhs_hint = false} : vector<128x128xbf16>, vector<128x512xbf16>, vector<128x512xf32> -> vector<128x512xf32>
    %get3A_427 = arith.constant 0 : index
    %get3A_428 = arith.constant 0 : index
    %get3A_429 = vector.load %arg5[%get3A_427, %get3A_428] : memref<1x512xf32, #tpu.memory_space<vmem>>, vector<1x512xf32>
    %add3A_430 = vector.broadcast %get3A_429 : vector<1x512xf32> to vector<128x512xf32>
    %add3A_431 = arith.addf %dot_general3A_426, %add3A_430 : vector<128x512xf32>
    %logistic3A_432 = arith.negf %add3A_431 : vector<128x512xf32>
    %logistic3A_433 = math.exp %logistic3A_432 : vector<128x512xf32>
    %logistic3A_434 = arith.constant 1.000000e+00 : f32
    %logistic3A_435 = vector.broadcast %logistic3A_434 : f32 to vector<128x512xf32>
    %logistic3A_436 = arith.addf %logistic3A_435, %logistic3A_433 : vector<128x512xf32>
    %logistic3A_437 = arith.divf %logistic3A_435, %logistic3A_436 : vector<128x512xf32>
    %mul3A_438 = arith.mulf %add3A_431, %logistic3A_437 : vector<128x512xf32>
    %reduce_sum3A_439 = arith.constant dense<0.000000e+00> : vector<128xf32>
    %reduce_sum3A_440 = vector.multi_reduction <add>, %mul3A_438, %reduce_sum3A_439 [1] : vector<128x512xf32> to vector<128xf32>
    %broadcast_in_dim3A_441 = vector.shape_cast %reduce_sum3A_440 : vector<128xf32> to vector<128x1xf32>
    %div3A_442 = arith.constant 5.120000e+02 : f32
    %div3A_443 = vector.broadcast %div3A_442 : f32 to vector<128x1xf32>
    %div3A_444 = arith.divf %broadcast_in_dim3A_441, %div3A_443 : vector<128x1xf32>
    %sub3A_445 = vector.broadcast %div3A_444 : vector<128x1xf32> to vector<128x512xf32>
    %sub3A_446 = arith.subf %mul3A_438, %sub3A_445 : vector<128x512xf32>
    %mul3A_447 = arith.mulf %sub3A_446, %sub3A_446 : vector<128x512xf32>
    %reduce_sum3A_448 = arith.constant dense<0.000000e+00> : vector<128xf32>
    %reduce_sum3A_449 = vector.multi_reduction <add>, %mul3A_447, %reduce_sum3A_448 [1] : vector<128x512xf32> to vector<128xf32>
    %broadcast_in_dim3A_450 = vector.shape_cast %reduce_sum3A_449 : vector<128xf32> to vector<128x1xf32>
    %div3A_451 = arith.constant 5.120000e+02 : f32
    %div3A_452 = vector.broadcast %div3A_451 : f32 to vector<128x1xf32>
    %div3A_453 = arith.divf %broadcast_in_dim3A_450, %div3A_452 : vector<128x1xf32>
    %add3A_454 = arith.constant 9.99999974E-6 : f32
    %add3A_455 = vector.broadcast %add3A_454 : f32 to vector<128x1xf32>
    %add3A_456 = arith.addf %div3A_453, %add3A_455 : vector<128x1xf32>
    %rsqrt3A_457 = math.rsqrt %add3A_456 : vector<128x1xf32>
    %mul3A_458 = vector.broadcast %rsqrt3A_457 : vector<128x1xf32> to vector<128x512xf32>
    %mul3A_459 = arith.mulf %sub3A_446, %mul3A_458 : vector<128x512xf32>
    %get3A_460 = arith.constant 0 : index
    %get3A_461 = arith.constant 0 : index
    %get3A_462 = vector.load %arg6[%get3A_460, %get3A_461] : memref<1x512xf32, #tpu.memory_space<vmem>>, vector<1x512xf32>
    %mul3A_463 = vector.broadcast %get3A_462 : vector<1x512xf32> to vector<128x512xf32>
    %mul3A_464 = arith.mulf %mul3A_459, %mul3A_463 : vector<128x512xf32>
    %get3A_465 = arith.constant 0 : index
    %get3A_466 = arith.constant 0 : index
    %get3A_467 = vector.load %arg7[%get3A_465, %get3A_466] : memref<1x512xf32, #tpu.memory_space<vmem>>, vector<1x512xf32>
    %add3A_468 = vector.broadcast %get3A_467 : vector<1x512xf32> to vector<128x512xf32>
    %add3A_469 = arith.addf %mul3A_464, %add3A_468 : vector<128x512xf32>
    %mul3A_470 = arith.mulf %add3A_469, %add3A_469 : vector<128x512xf32>
    %reduce_sum3A_471 = arith.constant dense<0.000000e+00> : vector<128xf32>
    %reduce_sum3A_472 = vector.multi_reduction <add>, %mul3A_470, %reduce_sum3A_471 [1] : vector<128x512xf32> to vector<128xf32>
    %broadcast_in_dim3A_473 = vector.shape_cast %reduce_sum3A_472 : vector<128xf32> to vector<128x1xf32>
    %add3A_474 = arith.addf %add3A_393, %broadcast_in_dim3A_473 : vector<128x1xf32>
    %get3A_475 = arith.constant 5 : index
    %get3A_476 = arith.constant 0 : index
    %get3A_477 = arith.constant 0 : index
    %get3A_478 = vector.load %arg8[%get3A_475, %get3A_476, %get3A_477] : memref<13x1x512xf32, #tpu.memory_space<vmem>>, vector<1x1x512xf32>
    %get3A_479 = vector.shape_cast %get3A_478 : vector<1x1x512xf32> to vector<1x512xf32>
    %mul3A_480 = vector.broadcast %get3A_479 : vector<1x512xf32> to vector<128x512xf32>
    %mul3A_481 = arith.mulf %add3A_469, %mul3A_480 : vector<128x512xf32>
    %convert_element_type3A_482 = arith.truncf %mul3A_481 : vector<128x512xf32> to vector<128x512xbf16>
    %swap3A_483 = arith.constant 0 : index
    %swap3A_484 = arith.constant 2560 : index
    %swap3A_485 = vector.load %arg14[%swap3A_483, %swap3A_484] : memref<128x6656xbf16, #tpu.memory_space<vmem>>, vector<128x512xbf16>
    tpu.vector_store %arg14[%swap3A_483, %swap3A_484], %convert_element_type3A_482 {strides = array<i32>} : memref<128x6656xbf16, #tpu.memory_space<vmem>>, vector<128x512xbf16>,
    %get3A_486 = arith.constant 0 : index
    %get3A_487 = arith.constant 6 : index
    %get3A_488 = arith.constant 0 : index
    %get3A_489 = arith.constant 0 : index
    %get3A_490 = vector.load %arg1[%get3A_486, %get3A_487, %get3A_488, %get3A_489] : memref<2x13x128x128xbf16, #tpu.memory_space<vmem>>, vector<1x1x128x128xbf16>
    %get3A_491 = vector.shape_cast %get3A_490 : vector<1x1x128x128xbf16> to vector<128x128xbf16>
    %get3A_492 = arith.constant 1 : index
    %get3A_493 = arith.constant 6 : index
    %get3A_494 = arith.constant 0 : index
    %get3A_495 = arith.constant 0 : index
    %get3A_496 = vector.load %arg1[%get3A_492, %get3A_493, %get3A_494, %get3A_495] : memref<2x13x128x128xbf16, #tpu.memory_space<vmem>>, vector<1x1x128x128xbf16>
    %get3A_497 = vector.shape_cast %get3A_496 : vector<1x1x128x128xbf16> to vector<128x128xbf16>
    %add3A_498 = arith.addf %get3A_491, %get3A_497 : vector<128x128xbf16>
    %convert_element_type3A_499 = arith.extf %add3A_498 : vector<128x128xbf16> to vector<128x128xf32>
    %mul3A_500 = arith.constant 5.000000e-01 : f32
    %mul3A_501 = vector.broadcast %mul3A_500 : f32 to vector<128x128xf32>
    %mul3A_502 = arith.mulf %convert_element_type3A_499, %mul3A_501 : vector<128x128xf32>
    %slice3A_503 = vector.extract_strided_slice %dot_general3A_9 {offsets = [0, 768], sizes = [128, 128], strides = [1, 1]} : vector<128x1664xf32> to vector<128x128xf32>
    %add3A_504 = arith.addf %mul3A_502, %slice3A_503 : vector<128x128xf32>
    %convert_element_type3A_505 = arith.truncf %add3A_504 : vector<128x128xf32> to vector<128x128xbf16>
    %dot_general3A_506 = arith.constant dense<0.000000e+00> : vector<128x512xf32>
    %dot_general3A_507 = tpu.matmul %convert_element_type3A_505, %get3A_2, %dot_general3A_506 {dimension_numbers = #tpu.dot_dimension_numbers<[1], [0], [0], [1], [0, 0, 1, 1], [], []>, transpose_lhs_hint = false} : vector<128x128xbf16>, vector<128x512xbf16>, vector<128x512xf32> -> vector<128x512xf32>
    %get3A_508 = arith.constant 0 : index
    %get3A_509 = arith.constant 0 : index
    %get3A_510 = vector.load %arg5[%get3A_508, %get3A_509] : memref<1x512xf32, #tpu.memory_space<vmem>>, vector<1x512xf32>
    %add3A_511 = vector.broadcast %get3A_510 : vector<1x512xf32> to vector<128x512xf32>
    %add3A_512 = arith.addf %dot_general3A_507, %add3A_511 : vector<128x512xf32>
    %logistic3A_513 = arith.negf %add3A_512 : vector<128x512xf32>
    %logistic3A_514 = math.exp %logistic3A_513 : vector<128x512xf32>
    %logistic3A_515 = arith.constant 1.000000e+00 : f32
    %logistic3A_516 = vector.broadcast %logistic3A_515 : f32 to vector<128x512xf32>
    %logistic3A_517 = arith.addf %logistic3A_516, %logistic3A_514 : vector<128x512xf32>
    %logistic3A_518 = arith.divf %logistic3A_516, %logistic3A_517 : vector<128x512xf32>
    %mul3A_519 = arith.mulf %add3A_512, %logistic3A_518 : vector<128x512xf32>
    %reduce_sum3A_520 = arith.constant dense<0.000000e+00> : vector<128xf32>
    %reduce_sum3A_521 = vector.multi_reduction <add>, %mul3A_519, %reduce_sum3A_520 [1] : vector<128x512xf32> to vector<128xf32>
    %broadcast_in_dim3A_522 = vector.shape_cast %reduce_sum3A_521 : vector<128xf32> to vector<128x1xf32>
    %div3A_523 = arith.constant 5.120000e+02 : f32
    %div3A_524 = vector.broadcast %div3A_523 : f32 to vector<128x1xf32>
    %div3A_525 = arith.divf %broadcast_in_dim3A_522, %div3A_524 : vector<128x1xf32>
    %sub3A_526 = vector.broadcast %div3A_525 : vector<128x1xf32> to vector<128x512xf32>
    %sub3A_527 = arith.subf %mul3A_519, %sub3A_526 : vector<128x512xf32>
    %mul3A_528 = arith.mulf %sub3A_527, %sub3A_527 : vector<128x512xf32>
    %reduce_sum3A_529 = arith.constant dense<0.000000e+00> : vector<128xf32>
    %reduce_sum3A_530 = vector.multi_reduction <add>, %mul3A_528, %reduce_sum3A_529 [1] : vector<128x512xf32> to vector<128xf32>
    %broadcast_in_dim3A_531 = vector.shape_cast %reduce_sum3A_530 : vector<128xf32> to vector<128x1xf32>
    %div3A_532 = arith.constant 5.120000e+02 : f32
    %div3A_533 = vector.broadcast %div3A_532 : f32 to vector<128x1xf32>
    %div3A_534 = arith.divf %broadcast_in_dim3A_531, %div3A_533 : vector<128x1xf32>
    %add3A_535 = arith.constant 9.99999974E-6 : f32
    %add3A_536 = vector.broadcast %add3A_535 : f32 to vector<128x1xf32>
    %add3A_537 = arith.addf %div3A_534, %add3A_536 : vector<128x1xf32>
    %rsqrt3A_538 = math.rsqrt %add3A_537 : vector<128x1xf32>
    %mul3A_539 = vector.broadcast %rsqrt3A_538 : vector<128x1xf32> to vector<128x512xf32>
    %mul3A_540 = arith.mulf %sub3A_527, %mul3A_539 : vector<128x512xf32>
    %get3A_541 = arith.constant 0 : index
    %get3A_542 = arith.constant 0 : index
    %get3A_543 = vector.load %arg6[%get3A_541, %get3A_542] : memref<1x512xf32, #tpu.memory_space<vmem>>, vector<1x512xf32>
    %mul3A_544 = vector.broadcast %get3A_543 : vector<1x512xf32> to vector<128x512xf32>
    %mul3A_545 = arith.mulf %mul3A_540, %mul3A_544 : vector<128x512xf32>
    %get3A_546 = arith.constant 0 : index
    %get3A_547 = arith.constant 0 : index
    %get3A_548 = vector.load %arg7[%get3A_546, %get3A_547] : memref<1x512xf32, #tpu.memory_space<vmem>>, vector<1x512xf32>
    %add3A_549 = vector.broadcast %get3A_548 : vector<1x512xf32> to vector<128x512xf32>
    %add3A_550 = arith.addf %mul3A_545, %add3A_549 : vector<128x512xf32>
    %mul3A_551 = arith.mulf %add3A_550, %add3A_550 : vector<128x512xf32>
    %reduce_sum3A_552 = arith.constant dense<0.000000e+00> : vector<128xf32>
    %reduce_sum3A_553 = vector.multi_reduction <add>, %mul3A_551, %reduce_sum3A_552 [1] : vector<128x512xf32> to vector<128xf32>
    %broadcast_in_dim3A_554 = vector.shape_cast %reduce_sum3A_553 : vector<128xf32> to vector<128x1xf32>
    %add3A_555 = arith.addf %add3A_474, %broadcast_in_dim3A_554 : vector<128x1xf32>
    %get3A_556 = arith.constant 6 : index
    %get3A_557 = arith.constant 0 : index
    %get3A_558 = arith.constant 0 : index
    %get3A_559 = vector.load %arg8[%get3A_556, %get3A_557, %get3A_558] : memref<13x1x512xf32, #tpu.memory_space<vmem>>, vector<1x1x512xf32>
    %get3A_560 = vector.shape_cast %get3A_559 : vector<1x1x512xf32> to vector<1x512xf32>
    %mul3A_561 = vector.broadcast %get3A_560 : vector<1x512xf32> to vector<128x512xf32>
    %mul3A_562 = arith.mulf %add3A_550, %mul3A_561 : vector<128x512xf32>
    %convert_element_type3A_563 = arith.truncf %mul3A_562 : vector<128x512xf32> to vector<128x512xbf16>
    %swap3A_564 = arith.constant 0 : index
    %swap3A_565 = arith.constant 3072 : index
    %swap3A_566 = vector.load %arg14[%swap3A_564, %swap3A_565] : memref<128x6656xbf16, #tpu.memory_space<vmem>>, vector<128x512xbf16>
    tpu.vector_store %arg14[%swap3A_564, %swap3A_565], %convert_element_type3A_563 {strides = array<i32>} : memref<128x6656xbf16, #tpu.memory_space<vmem>>, vector<128x512xbf16>,
    %get3A_567 = arith.constant 0 : index
    %get3A_568 = arith.constant 7 : index
    %get3A_569 = arith.constant 0 : index
    %get3A_570 = arith.constant 0 : index
    %get3A_571 = vector.load %arg1[%get3A_567, %get3A_568, %get3A_569, %get3A_570] : memref<2x13x128x128xbf16, #tpu.memory_space<vmem>>, vector<1x1x128x128xbf16>
    %get3A_572 = vector.shape_cast %get3A_571 : vector<1x1x128x128xbf16> to vector<128x128xbf16>
    %get3A_573 = arith.constant 1 : index
    %get3A_574 = arith.constant 7 : index
    %get3A_575 = arith.constant 0 : index
    %get3A_576 = arith.constant 0 : index
    %get3A_577 = vector.load %arg1[%get3A_573, %get3A_574, %get3A_575, %get3A_576] : memref<2x13x128x128xbf16, #tpu.memory_space<vmem>>, vector<1x1x128x128xbf16>
    %get3A_578 = vector.shape_cast %get3A_577 : vector<1x1x128x128xbf16> to vector<128x128xbf16>
    %add3A_579 = arith.addf %get3A_572, %get3A_578 : vector<128x128xbf16>
    %convert_element_type3A_580 = arith.extf %add3A_579 : vector<128x128xbf16> to vector<128x128xf32>
    %mul3A_581 = arith.constant 5.000000e-01 : f32
    %mul3A_582 = vector.broadcast %mul3A_581 : f32 to vector<128x128xf32>
    %mul3A_583 = arith.mulf %convert_element_type3A_580, %mul3A_582 : vector<128x128xf32>
    %slice3A_584 = vector.extract_strided_slice %dot_general3A_9 {offsets = [0, 896], sizes = [128, 128], strides = [1, 1]} : vector<128x1664xf32> to vector<128x128xf32>
    %add3A_585 = arith.addf %mul3A_583, %slice3A_584 : vector<128x128xf32>
    %convert_element_type3A_586 = arith.truncf %add3A_585 : vector<128x128xf32> to vector<128x128xbf16>
    %dot_general3A_587 = arith.constant dense<0.000000e+00> : vector<128x512xf32>
    %dot_general3A_588 = tpu.matmul %convert_element_type3A_586, %get3A_2, %dot_general3A_587 {dimension_numbers = #tpu.dot_dimension_numbers<[1], [0], [0], [1], [0, 0, 1, 1], [], []>, transpose_lhs_hint = false} : vector<128x128xbf16>, vector<128x512xbf16>, vector<128x512xf32> -> vector<128x512xf32>
    %get3A_589 = arith.constant 0 : index
    %get3A_590 = arith.constant 0 : index
    %get3A_591 = vector.load %arg5[%get3A_589, %get3A_590] : memref<1x512xf32, #tpu.memory_space<vmem>>, vector<1x512xf32>
    %add3A_592 = vector.broadcast %get3A_591 : vector<1x512xf32> to vector<128x512xf32>
    %add3A_593 = arith.addf %dot_general3A_588, %add3A_592 : vector<128x512xf32>
    %logistic3A_594 = arith.negf %add3A_593 : vector<128x512xf32>
    %logistic3A_595 = math.exp %logistic3A_594 : vector<128x512xf32>
    %logistic3A_596 = arith.constant 1.000000e+00 : f32
    %logistic3A_597 = vector.broadcast %logistic3A_596 : f32 to vector<128x512xf32>
    %logistic3A_598 = arith.addf %logistic3A_597, %logistic3A_595 : vector<128x512xf32>
    %logistic3A_599 = arith.divf %logistic3A_597, %logistic3A_598 : vector<128x512xf32>
    %mul3A_600 = arith.mulf %add3A_593, %logistic3A_599 : vector<128x512xf32>
    %reduce_sum3A_601 = arith.constant dense<0.000000e+00> : vector<128xf32>
    %reduce_sum3A_602 = vector.multi_reduction <add>, %mul3A_600, %reduce_sum3A_601 [1] : vector<128x512xf32> to vector<128xf32>
    %broadcast_in_dim3A_603 = vector.shape_cast %reduce_sum3A_602 : vector<128xf32> to vector<128x1xf32>
    %div3A_604 = arith.constant 5.120000e+02 : f32
    %div3A_605 = vector.broadcast %div3A_604 : f32 to vector<128x1xf32>
    %div3A_606 = arith.divf %broadcast_in_dim3A_603, %div3A_605 : vector<128x1xf32>
    %sub3A_607 = vector.broadcast %div3A_606 : vector<128x1xf32> to vector<128x512xf32>
    %sub3A_608 = arith.subf %mul3A_600, %sub3A_607 : vector<128x512xf32>
    %mul3A_609 = arith.mulf %sub3A_608, %sub3A_608 : vector<128x512xf32>
    %reduce_sum3A_610 = arith.constant dense<0.000000e+00> : vector<128xf32>
    %reduce_sum3A_611 = vector.multi_reduction <add>, %mul3A_609, %reduce_sum3A_610 [1] : vector<128x512xf32> to vector<128xf32>
    %broadcast_in_dim3A_612 = vector.shape_cast %reduce_sum3A_611 : vector<128xf32> to vector<128x1xf32>
    %div3A_613 = arith.constant 5.120000e+02 : f32
    %div3A_614 = vector.broadcast %div3A_613 : f32 to vector<128x1xf32>
    %div3A_615 = arith.divf %broadcast_in_dim3A_612, %div3A_614 : vector<128x1xf32>
    %add3A_616 = arith.constant 9.99999974E-6 : f32
    %add3A_617 = vector.broadcast %add3A_616 : f32 to vector<128x1xf32>
    %add3A_618 = arith.addf %div3A_615, %add3A_617 : vector<128x1xf32>
    %rsqrt3A_619 = math.rsqrt %add3A_618 : vector<128x1xf32>
    %mul3A_620 = vector.broadcast %rsqrt3A_619 : vector<128x1xf32> to vector<128x512xf32>
    %mul3A_621 = arith.mulf %sub3A_608, %mul3A_620 : vector<128x512xf32>
    %get3A_622 = arith.constant 0 : index
    %get3A_623 = arith.constant 0 : index
    %get3A_624 = vector.load %arg6[%get3A_622, %get3A_623] : memref<1x512xf32, #tpu.memory_space<vmem>>, vector<1x512xf32>
    %mul3A_625 = vector.broadcast %get3A_624 : vector<1x512xf32> to vector<128x512xf32>
    %mul3A_626 = arith.mulf %mul3A_621, %mul3A_625 : vector<128x512xf32>
    %get3A_627 = arith.constant 0 : index
    %get3A_628 = arith.constant 0 : index
    %get3A_629 = vector.load %arg7[%get3A_627, %get3A_628] : memref<1x512xf32, #tpu.memory_space<vmem>>, vector<1x512xf32>
    %add3A_630 = vector.broadcast %get3A_629 : vector<1x512xf32> to vector<128x512xf32>
    %add3A_631 = arith.addf %mul3A_626, %add3A_630 : vector<128x512xf32>
    %mul3A_632 = arith.mulf %add3A_631, %add3A_631 : vector<128x512xf32>
    %reduce_sum3A_633 = arith.constant dense<0.000000e+00> : vector<128xf32>
    %reduce_sum3A_634 = vector.multi_reduction <add>, %mul3A_632, %reduce_sum3A_633 [1] : vector<128x512xf32> to vector<128xf32>
    %broadcast_in_dim3A_635 = vector.shape_cast %reduce_sum3A_634 : vector<128xf32> to vector<128x1xf32>
    %add3A_636 = arith.addf %add3A_555, %broadcast_in_dim3A_635 : vector<128x1xf32>
    %get3A_637 = arith.constant 7 : index
    %get3A_638 = arith.constant 0 : index
    %get3A_639 = arith.constant 0 : index
    %get3A_640 = vector.load %arg8[%get3A_637, %get3A_638, %get3A_639] : memref<13x1x512xf32, #tpu.memory_space<vmem>>, vector<1x1x512xf32>
    %get3A_641 = vector.shape_cast %get3A_640 : vector<1x1x512xf32> to vector<1x512xf32>
    %mul3A_642 = vector.broadcast %get3A_641 : vector<1x512xf32> to vector<128x512xf32>
    %mul3A_643 = arith.mulf %add3A_631, %mul3A_642 : vector<128x512xf32>
    %convert_element_type3A_644 = arith.truncf %mul3A_643 : vector<128x512xf32> to vector<128x512xbf16>
    %swap3A_645 = arith.constant 0 : index
    %swap3A_646 = arith.constant 3584 : index
    %swap3A_647 = vector.load %arg14[%swap3A_645, %swap3A_646] : memref<128x6656xbf16, #tpu.memory_space<vmem>>, vector<128x512xbf16>
    tpu.vector_store %arg14[%swap3A_645, %swap3A_646], %convert_element_type3A_644 {strides = array<i32>} : memref<128x6656xbf16, #tpu.memory_space<vmem>>, vector<128x512xbf16>,
    %get3A_648 = arith.constant 0 : index
    %get3A_649 = arith.constant 8 : index
    %get3A_650 = arith.constant 0 : index
    %get3A_651 = arith.constant 0 : index
    %get3A_652 = vector.load %arg1[%get3A_648, %get3A_649, %get3A_650, %get3A_651] : memref<2x13x128x128xbf16, #tpu.memory_space<vmem>>, vector<1x1x128x128xbf16>
    %get3A_653 = vector.shape_cast %get3A_652 : vector<1x1x128x128xbf16> to vector<128x128xbf16>
    %get3A_654 = arith.constant 1 : index
    %get3A_655 = arith.constant 8 : index
    %get3A_656 = arith.constant 0 : index
    %get3A_657 = arith.constant 0 : index
    %get3A_658 = vector.load %arg1[%get3A_654, %get3A_655, %get3A_656, %get3A_657] : memref<2x13x128x128xbf16, #tpu.memory_space<vmem>>, vector<1x1x128x128xbf16>
    %get3A_659 = vector.shape_cast %get3A_658 : vector<1x1x128x128xbf16> to vector<128x128xbf16>
    %add3A_660 = arith.addf %get3A_653, %get3A_659 : vector<128x128xbf16>
    %convert_element_type3A_661 = arith.extf %add3A_660 : vector<128x128xbf16> to vector<128x128xf32>
    %mul3A_662 = arith.constant 5.000000e-01 : f32
    %mul3A_663 = vector.broadcast %mul3A_662 : f32 to vector<128x128xf32>
    %mul3A_664 = arith.mulf %convert_element_type3A_661, %mul3A_663 : vector<128x128xf32>
    %slice3A_665 = vector.extract_strided_slice %dot_general3A_9 {offsets = [0, 1024], sizes = [128, 128], strides = [1, 1]} : vector<128x1664xf32> to vector<128x128xf32>
    %add3A_666 = arith.addf %mul3A_664, %slice3A_665 : vector<128x128xf32>
    %convert_element_type3A_667 = arith.truncf %add3A_666 : vector<128x128xf32> to vector<128x128xbf16>
    %dot_general3A_668 = arith.constant dense<0.000000e+00> : vector<128x512xf32>
    %dot_general3A_669 = tpu.matmul %convert_element_type3A_667, %get3A_2, %dot_general3A_668 {dimension_numbers = #tpu.dot_dimension_numbers<[1], [0], [0], [1], [0, 0, 1, 1], [], []>, transpose_lhs_hint = false} : vector<128x128xbf16>, vector<128x512xbf16>, vector<128x512xf32> -> vector<128x512xf32>
    %get3A_670 = arith.constant 0 : index
    %get3A_671 = arith.constant 0 : index
    %get3A_672 = vector.load %arg5[%get3A_670, %get3A_671] : memref<1x512xf32, #tpu.memory_space<vmem>>, vector<1x512xf32>
    %add3A_673 = vector.broadcast %get3A_672 : vector<1x512xf32> to vector<128x512xf32>
    %add3A_674 = arith.addf %dot_general3A_669, %add3A_673 : vector<128x512xf32>
    %logistic3A_675 = arith.negf %add3A_674 : vector<128x512xf32>
    %logistic3A_676 = math.exp %logistic3A_675 : vector<128x512xf32>
    %logistic3A_677 = arith.constant 1.000000e+00 : f32
    %logistic3A_678 = vector.broadcast %logistic3A_677 : f32 to vector<128x512xf32>
    %logistic3A_679 = arith.addf %logistic3A_678, %logistic3A_676 : vector<128x512xf32>
    %logistic3A_680 = arith.divf %logistic3A_678, %logistic3A_679 : vector<128x512xf32>
    %mul3A_681 = arith.mulf %add3A_674, %logistic3A_680 : vector<128x512xf32>
    %reduce_sum3A_682 = arith.constant dense<0.000000e+00> : vector<128xf32>
    %reduce_sum3A_683 = vector.multi_reduction <add>, %mul3A_681, %reduce_sum3A_682 [1] : vector<128x512xf32> to vector<128xf32>
    %broadcast_in_dim3A_684 = vector.shape_cast %reduce_sum3A_683 : vector<128xf32> to vector<128x1xf32>
    %div3A_685 = arith.constant 5.120000e+02 : f32
    %div3A_686 = vector.broadcast %div3A_685 : f32 to vector<128x1xf32>
    %div3A_687 = arith.divf %broadcast_in_dim3A_684, %div3A_686 : vector<128x1xf32>
    %sub3A_688 = vector.broadcast %div3A_687 : vector<128x1xf32> to vector<128x512xf32>
    %sub3A_689 = arith.subf %mul3A_681, %sub3A_688 : vector<128x512xf32>
    %mul3A_690 = arith.mulf %sub3A_689, %sub3A_689 : vector<128x512xf32>
    %reduce_sum3A_691 = arith.constant dense<0.000000e+00> : vector<128xf32>
    %reduce_sum3A_692 = vector.multi_reduction <add>, %mul3A_690, %reduce_sum3A_691 [1] : vector<128x512xf32> to vector<128xf32>
    %broadcast_in_dim3A_693 = vector.shape_cast %reduce_sum3A_692 : vector<128xf32> to vector<128x1xf32>
    %div3A_694 = arith.constant 5.120000e+02 : f32
    %div3A_695 = vector.broadcast %div3A_694 : f32 to vector<128x1xf32>
    %div3A_696 = arith.divf %broadcast_in_dim3A_693, %div3A_695 : vector<128x1xf32>
    %add3A_697 = arith.constant 9.99999974E-6 : f32
    %add3A_698 = vector.broadcast %add3A_697 : f32 to vector<128x1xf32>
    %add3A_699 = arith.addf %div3A_696, %add3A_698 : vector<128x1xf32>
    %rsqrt3A_700 = math.rsqrt %add3A_699 : vector<128x1xf32>
    %mul3A_701 = vector.broadcast %rsqrt3A_700 : vector<128x1xf32> to vector<128x512xf32>
    %mul3A_702 = arith.mulf %sub3A_689, %mul3A_701 : vector<128x512xf32>
    %get3A_703 = arith.constant 0 : index
    %get3A_704 = arith.constant 0 : index
    %get3A_705 = vector.load %arg6[%get3A_703, %get3A_704] : memref<1x512xf32, #tpu.memory_space<vmem>>, vector<1x512xf32>
    %mul3A_706 = vector.broadcast %get3A_705 : vector<1x512xf32> to vector<128x512xf32>
    %mul3A_707 = arith.mulf %mul3A_702, %mul3A_706 : vector<128x512xf32>
    %get3A_708 = arith.constant 0 : index
    %get3A_709 = arith.constant 0 : index
    %get3A_710 = vector.load %arg7[%get3A_708, %get3A_709] : memref<1x512xf32, #tpu.memory_space<vmem>>, vector<1x512xf32>
    %add3A_711 = vector.broadcast %get3A_710 : vector<1x512xf32> to vector<128x512xf32>
    %add3A_712 = arith.addf %mul3A_707, %add3A_711 : vector<128x512xf32>
    %mul3A_713 = arith.mulf %add3A_712, %add3A_712 : vector<128x512xf32>
    %reduce_sum3A_714 = arith.constant dense<0.000000e+00> : vector<128xf32>
    %reduce_sum3A_715 = vector.multi_reduction <add>, %mul3A_713, %reduce_sum3A_714 [1] : vector<128x512xf32> to vector<128xf32>
    %broadcast_in_dim3A_716 = vector.shape_cast %reduce_sum3A_715 : vector<128xf32> to vector<128x1xf32>
    %add3A_717 = arith.addf %add3A_636, %broadcast_in_dim3A_716 : vector<128x1xf32>
    %get3A_718 = arith.constant 8 : index
    %get3A_719 = arith.constant 0 : index
    %get3A_720 = arith.constant 0 : index
    %get3A_721 = vector.load %arg8[%get3A_718, %get3A_719, %get3A_720] : memref<13x1x512xf32, #tpu.memory_space<vmem>>, vector<1x1x512xf32>
    %get3A_722 = vector.shape_cast %get3A_721 : vector<1x1x512xf32> to vector<1x512xf32>
    %mul3A_723 = vector.broadcast %get3A_722 : vector<1x512xf32> to vector<128x512xf32>
    %mul3A_724 = arith.mulf %add3A_712, %mul3A_723 : vector<128x512xf32>
    %convert_element_type3A_725 = arith.truncf %mul3A_724 : vector<128x512xf32> to vector<128x512xbf16>
    %swap3A_726 = arith.constant 0 : index
    %swap3A_727 = arith.constant 4096 : index
    %swap3A_728 = vector.load %arg14[%swap3A_726, %swap3A_727] : memref<128x6656xbf16, #tpu.memory_space<vmem>>, vector<128x512xbf16>
    tpu.vector_store %arg14[%swap3A_726, %swap3A_727], %convert_element_type3A_725 {strides = array<i32>} : memref<128x6656xbf16, #tpu.memory_space<vmem>>, vector<128x512xbf16>,
    %get3A_729 = arith.constant 0 : index
    %get3A_730 = arith.constant 9 : index
    %get3A_731 = arith.constant 0 : index
    %get3A_732 = arith.constant 0 : index
    %get3A_733 = vector.load %arg1[%get3A_729, %get3A_730, %get3A_731, %get3A_732] : memref<2x13x128x128xbf16, #tpu.memory_space<vmem>>, vector<1x1x128x128xbf16>
    %get3A_734 = vector.shape_cast %get3A_733 : vector<1x1x128x128xbf16> to vector<128x128xbf16>
    %get3A_735 = arith.constant 1 : index
    %get3A_736 = arith.constant 9 : index
    %get3A_737 = arith.constant 0 : index
    %get3A_738 = arith.constant 0 : index
    %get3A_739 = vector.load %arg1[%get3A_735, %get3A_736, %get3A_737, %get3A_738] : memref<2x13x128x128xbf16, #tpu.memory_space<vmem>>, vector<1x1x128x128xbf16>
    %get3A_740 = vector.shape_cast %get3A_739 : vector<1x1x128x128xbf16> to vector<128x128xbf16>
    %add3A_741 = arith.addf %get3A_734, %get3A_740 : vector<128x128xbf16>
    %convert_element_type3A_742 = arith.extf %add3A_741 : vector<128x128xbf16> to vector<128x128xf32>
    %mul3A_743 = arith.constant 5.000000e-01 : f32
    %mul3A_744 = vector.broadcast %mul3A_743 : f32 to vector<128x128xf32>
    %mul3A_745 = arith.mulf %convert_element_type3A_742, %mul3A_744 : vector<128x128xf32>
    %slice3A_746 = vector.extract_strided_slice %dot_general3A_9 {offsets = [0, 1152], sizes = [128, 128], strides = [1, 1]} : vector<128x1664xf32> to vector<128x128xf32>
    %add3A_747 = arith.addf %mul3A_745, %slice3A_746 : vector<128x128xf32>
    %convert_element_type3A_748 = arith.truncf %add3A_747 : vector<128x128xf32> to vector<128x128xbf16>
    %dot_general3A_749 = arith.constant dense<0.000000e+00> : vector<128x512xf32>
    %dot_general3A_750 = tpu.matmul %convert_element_type3A_748, %get3A_2, %dot_general3A_749 {dimension_numbers = #tpu.dot_dimension_numbers<[1], [0], [0], [1], [0, 0, 1, 1], [], []>, transpose_lhs_hint = false} : vector<128x128xbf16>, vector<128x512xbf16>, vector<128x512xf32> -> vector<128x512xf32>
    %get3A_751 = arith.constant 0 : index
    %get3A_752 = arith.constant 0 : index
    %get3A_753 = vector.load %arg5[%get3A_751, %get3A_752] : memref<1x512xf32, #tpu.memory_space<vmem>>, vector<1x512xf32>
    %add3A_754 = vector.broadcast %get3A_753 : vector<1x512xf32> to vector<128x512xf32>
    %add3A_755 = arith.addf %dot_general3A_750, %add3A_754 : vector<128x512xf32>
    %logistic3A_756 = arith.negf %add3A_755 : vector<128x512xf32>
    %logistic3A_757 = math.exp %logistic3A_756 : vector<128x512xf32>
    %logistic3A_758 = arith.constant 1.000000e+00 : f32
    %logistic3A_759 = vector.broadcast %logistic3A_758 : f32 to vector<128x512xf32>
    %logistic3A_760 = arith.addf %logistic3A_759, %logistic3A_757 : vector<128x512xf32>
    %logistic3A_761 = arith.divf %logistic3A_759, %logistic3A_760 : vector<128x512xf32>
    %mul3A_762 = arith.mulf %add3A_755, %logistic3A_761 : vector<128x512xf32>
    %reduce_sum3A_763 = arith.constant dense<0.000000e+00> : vector<128xf32>
    %reduce_sum3A_764 = vector.multi_reduction <add>, %mul3A_762, %reduce_sum3A_763 [1] : vector<128x512xf32> to vector<128xf32>
    %broadcast_in_dim3A_765 = vector.shape_cast %reduce_sum3A_764 : vector<128xf32> to vector<128x1xf32>
    %div3A_766 = arith.constant 5.120000e+02 : f32
    %div3A_767 = vector.broadcast %div3A_766 : f32 to vector<128x1xf32>
    %div3A_768 = arith.divf %broadcast_in_dim3A_765, %div3A_767 : vector<128x1xf32>
    %sub3A_769 = vector.broadcast %div3A_768 : vector<128x1xf32> to vector<128x512xf32>
    %sub3A_770 = arith.subf %mul3A_762, %sub3A_769 : vector<128x512xf32>
    %mul3A_771 = arith.mulf %sub3A_770, %sub3A_770 : vector<128x512xf32>
    %reduce_sum3A_772 = arith.constant dense<0.000000e+00> : vector<128xf32>
    %reduce_sum3A_773 = vector.multi_reduction <add>, %mul3A_771, %reduce_sum3A_772 [1] : vector<128x512xf32> to vector<128xf32>
    %broadcast_in_dim3A_774 = vector.shape_cast %reduce_sum3A_773 : vector<128xf32> to vector<128x1xf32>
    %div3A_775 = arith.constant 5.120000e+02 : f32
    %div3A_776 = vector.broadcast %div3A_775 : f32 to vector<128x1xf32>
    %div3A_777 = arith.divf %broadcast_in_dim3A_774, %div3A_776 : vector<128x1xf32>
    %add3A_778 = arith.constant 9.99999974E-6 : f32
    %add3A_779 = vector.broadcast %add3A_778 : f32 to vector<128x1xf32>
    %add3A_780 = arith.addf %div3A_777, %add3A_779 : vector<128x1xf32>
    %rsqrt3A_781 = math.rsqrt %add3A_780 : vector<128x1xf32>
    %mul3A_782 = vector.broadcast %rsqrt3A_781 : vector<128x1xf32> to vector<128x512xf32>
    %mul3A_783 = arith.mulf %sub3A_770, %mul3A_782 : vector<128x512xf32>
    %get3A_784 = arith.constant 0 : index
    %get3A_785 = arith.constant 0 : index
    %get3A_786 = vector.load %arg6[%get3A_784, %get3A_785] : memref<1x512xf32, #tpu.memory_space<vmem>>, vector<1x512xf32>
    %mul3A_787 = vector.broadcast %get3A_786 : vector<1x512xf32> to vector<128x512xf32>
    %mul3A_788 = arith.mulf %mul3A_783, %mul3A_787 : vector<128x512xf32>
    %get3A_789 = arith.constant 0 : index
    %get3A_790 = arith.constant 0 : index
    %get3A_791 = vector.load %arg7[%get3A_789, %get3A_790] : memref<1x512xf32, #tpu.memory_space<vmem>>, vector<1x512xf32>
    %add3A_792 = vector.broadcast %get3A_791 : vector<1x512xf32> to vector<128x512xf32>
    %add3A_793 = arith.addf %mul3A_788, %add3A_792 : vector<128x512xf32>
    %mul3A_794 = arith.mulf %add3A_793, %add3A_793 : vector<128x512xf32>
    %reduce_sum3A_795 = arith.constant dense<0.000000e+00> : vector<128xf32>
    %reduce_sum3A_796 = vector.multi_reduction <add>, %mul3A_794, %reduce_sum3A_795 [1] : vector<128x512xf32> to vector<128xf32>
    %broadcast_in_dim3A_797 = vector.shape_cast %reduce_sum3A_796 : vector<128xf32> to vector<128x1xf32>
    %add3A_798 = arith.addf %add3A_717, %broadcast_in_dim3A_797 : vector<128x1xf32>
    %get3A_799 = arith.constant 9 : index
    %get3A_800 = arith.constant 0 : index
    %get3A_801 = arith.constant 0 : index
    %get3A_802 = vector.load %arg8[%get3A_799, %get3A_800, %get3A_801] : memref<13x1x512xf32, #tpu.memory_space<vmem>>, vector<1x1x512xf32>
    %get3A_803 = vector.shape_cast %get3A_802 : vector<1x1x512xf32> to vector<1x512xf32>
    %mul3A_804 = vector.broadcast %get3A_803 : vector<1x512xf32> to vector<128x512xf32>
    %mul3A_805 = arith.mulf %add3A_793, %mul3A_804 : vector<128x512xf32>
    %convert_element_type3A_806 = arith.truncf %mul3A_805 : vector<128x512xf32> to vector<128x512xbf16>
    %swap3A_807 = arith.constant 0 : index
    %swap3A_808 = arith.constant 4608 : index
    %swap3A_809 = vector.load %arg14[%swap3A_807, %swap3A_808] : memref<128x6656xbf16, #tpu.memory_space<vmem>>, vector<128x512xbf16>
    tpu.vector_store %arg14[%swap3A_807, %swap3A_808], %convert_element_type3A_806 {strides = array<i32>} : memref<128x6656xbf16, #tpu.memory_space<vmem>>, vector<128x512xbf16>,
    %get3A_810 = arith.constant 0 : index
    %get3A_811 = arith.constant 10 : index
    %get3A_812 = arith.constant 0 : index
    %get3A_813 = arith.constant 0 : index
    %get3A_814 = vector.load %arg1[%get3A_810, %get3A_811, %get3A_812, %get3A_813] : memref<2x13x128x128xbf16, #tpu.memory_space<vmem>>, vector<1x1x128x128xbf16>
    %get3A_815 = vector.shape_cast %get3A_814 : vector<1x1x128x128xbf16> to vector<128x128xbf16>
    %get3A_816 = arith.constant 1 : index
    %get3A_817 = arith.constant 10 : index
    %get3A_818 = arith.constant 0 : index
    %get3A_819 = arith.constant 0 : index
    %get3A_820 = vector.load %arg1[%get3A_816, %get3A_817, %get3A_818, %get3A_819] : memref<2x13x128x128xbf16, #tpu.memory_space<vmem>>, vector<1x1x128x128xbf16>
    %get3A_821 = vector.shape_cast %get3A_820 : vector<1x1x128x128xbf16> to vector<128x128xbf16>
    %add3A_822 = arith.addf %get3A_815, %get3A_821 : vector<128x128xbf16>
    %convert_element_type3A_823 = arith.extf %add3A_822 : vector<128x128xbf16> to vector<128x128xf32>
    %mul3A_824 = arith.constant 5.000000e-01 : f32
    %mul3A_825 = vector.broadcast %mul3A_824 : f32 to vector<128x128xf32>
    %mul3A_826 = arith.mulf %convert_element_type3A_823, %mul3A_825 : vector<128x128xf32>
    %slice3A_827 = vector.extract_strided_slice %dot_general3A_9 {offsets = [0, 1280], sizes = [128, 128], strides = [1, 1]} : vector<128x1664xf32> to vector<128x128xf32>
    %add3A_828 = arith.addf %mul3A_826, %slice3A_827 : vector<128x128xf32>
    %convert_element_type3A_829 = arith.truncf %add3A_828 : vector<128x128xf32> to vector<128x128xbf16>
    %dot_general3A_830 = arith.constant dense<0.000000e+00> : vector<128x512xf32>
    %dot_general3A_831 = tpu.matmul %convert_element_type3A_829, %get3A_2, %dot_general3A_830 {dimension_numbers = #tpu.dot_dimension_numbers<[1], [0], [0], [1], [0, 0, 1, 1], [], []>, transpose_lhs_hint = false} : vector<128x128xbf16>, vector<128x512xbf16>, vector<128x512xf32> -> vector<128x512xf32>
    %get3A_832 = arith.constant 0 : index
    %get3A_833 = arith.constant 0 : index
    %get3A_834 = vector.load %arg5[%get3A_832, %get3A_833] : memref<1x512xf32, #tpu.memory_space<vmem>>, vector<1x512xf32>
    %add3A_835 = vector.broadcast %get3A_834 : vector<1x512xf32> to vector<128x512xf32>
    %add3A_836 = arith.addf %dot_general3A_831, %add3A_835 : vector<128x512xf32>
    %logistic3A_837 = arith.negf %add3A_836 : vector<128x512xf32>
    %logistic3A_838 = math.exp %logistic3A_837 : vector<128x512xf32>
    %logistic3A_839 = arith.constant 1.000000e+00 : f32
    %logistic3A_840 = vector.broadcast %logistic3A_839 : f32 to vector<128x512xf32>
    %logistic3A_841 = arith.addf %logistic3A_840, %logistic3A_838 : vector<128x512xf32>
    %logistic3A_842 = arith.divf %logistic3A_840, %logistic3A_841 : vector<128x512xf32>
    %mul3A_843 = arith.mulf %add3A_836, %logistic3A_842 : vector<128x512xf32>
    %reduce_sum3A_844 = arith.constant dense<0.000000e+00> : vector<128xf32>
    %reduce_sum3A_845 = vector.multi_reduction <add>, %mul3A_843, %reduce_sum3A_844 [1] : vector<128x512xf32> to vector<128xf32>
    %broadcast_in_dim3A_846 = vector.shape_cast %reduce_sum3A_845 : vector<128xf32> to vector<128x1xf32>
    %div3A_847 = arith.constant 5.120000e+02 : f32
    %div3A_848 = vector.broadcast %div3A_847 : f32 to vector<128x1xf32>
    %div3A_849 = arith.divf %broadcast_in_dim3A_846, %div3A_848 : vector<128x1xf32>
    %sub3A_850 = vector.broadcast %div3A_849 : vector<128x1xf32> to vector<128x512xf32>
    %sub3A_851 = arith.subf %mul3A_843, %sub3A_850 : vector<128x512xf32>
    %mul3A_852 = arith.mulf %sub3A_851, %sub3A_851 : vector<128x512xf32>
    %reduce_sum3A_853 = arith.constant dense<0.000000e+00> : vector<128xf32>
    %reduce_sum3A_854 = vector.multi_reduction <add>, %mul3A_852, %reduce_sum3A_853 [1] : vector<128x512xf32> to vector<128xf32>
    %broadcast_in_dim3A_855 = vector.shape_cast %reduce_sum3A_854 : vector<128xf32> to vector<128x1xf32>
    %div3A_856 = arith.constant 5.120000e+02 : f32
    %div3A_857 = vector.broadcast %div3A_856 : f32 to vector<128x1xf32>
    %div3A_858 = arith.divf %broadcast_in_dim3A_855, %div3A_857 : vector<128x1xf32>
    %add3A_859 = arith.constant 9.99999974E-6 : f32
    %add3A_860 = vector.broadcast %add3A_859 : f32 to vector<128x1xf32>
    %add3A_861 = arith.addf %div3A_858, %add3A_860 : vector<128x1xf32>
    %rsqrt3A_862 = math.rsqrt %add3A_861 : vector<128x1xf32>
    %mul3A_863 = vector.broadcast %rsqrt3A_862 : vector<128x1xf32> to vector<128x512xf32>
    %mul3A_864 = arith.mulf %sub3A_851, %mul3A_863 : vector<128x512xf32>
    %get3A_865 = arith.constant 0 : index
    %get3A_866 = arith.constant 0 : index
    %get3A_867 = vector.load %arg6[%get3A_865, %get3A_866] : memref<1x512xf32, #tpu.memory_space<vmem>>, vector<1x512xf32>
    %mul3A_868 = vector.broadcast %get3A_867 : vector<1x512xf32> to vector<128x512xf32>
    %mul3A_869 = arith.mulf %mul3A_864, %mul3A_868 : vector<128x512xf32>
    %get3A_870 = arith.constant 0 : index
    %get3A_871 = arith.constant 0 : index
    %get3A_872 = vector.load %arg7[%get3A_870, %get3A_871] : memref<1x512xf32, #tpu.memory_space<vmem>>, vector<1x512xf32>
    %add3A_873 = vector.broadcast %get3A_872 : vector<1x512xf32> to vector<128x512xf32>
    %add3A_874 = arith.addf %mul3A_869, %add3A_873 : vector<128x512xf32>
    %mul3A_875 = arith.mulf %add3A_874, %add3A_874 : vector<128x512xf32>
    %reduce_sum3A_876 = arith.constant dense<0.000000e+00> : vector<128xf32>
    %reduce_sum3A_877 = vector.multi_reduction <add>, %mul3A_875, %reduce_sum3A_876 [1] : vector<128x512xf32> to vector<128xf32>
    %broadcast_in_dim3A_878 = vector.shape_cast %reduce_sum3A_877 : vector<128xf32> to vector<128x1xf32>
    %add3A_879 = arith.addf %add3A_798, %broadcast_in_dim3A_878 : vector<128x1xf32>
    %get3A_880 = arith.constant 10 : index
    %get3A_881 = arith.constant 0 : index
    %get3A_882 = arith.constant 0 : index
    %get3A_883 = vector.load %arg8[%get3A_880, %get3A_881, %get3A_882] : memref<13x1x512xf32, #tpu.memory_space<vmem>>, vector<1x1x512xf32>
    %get3A_884 = vector.shape_cast %get3A_883 : vector<1x1x512xf32> to vector<1x512xf32>
    %mul3A_885 = vector.broadcast %get3A_884 : vector<1x512xf32> to vector<128x512xf32>
    %mul3A_886 = arith.mulf %add3A_874, %mul3A_885 : vector<128x512xf32>
    %convert_element_type3A_887 = arith.truncf %mul3A_886 : vector<128x512xf32> to vector<128x512xbf16>
    %swap3A_888 = arith.constant 0 : index
    %swap3A_889 = arith.constant 5120 : index
    %swap3A_890 = vector.load %arg14[%swap3A_888, %swap3A_889] : memref<128x6656xbf16, #tpu.memory_space<vmem>>, vector<128x512xbf16>
    tpu.vector_store %arg14[%swap3A_888, %swap3A_889], %convert_element_type3A_887 {strides = array<i32>} : memref<128x6656xbf16, #tpu.memory_space<vmem>>, vector<128x512xbf16>,
    %get3A_891 = arith.constant 0 : index
    %get3A_892 = arith.constant 11 : index
    %get3A_893 = arith.constant 0 : index
    %get3A_894 = arith.constant 0 : index
    %get3A_895 = vector.load %arg1[%get3A_891, %get3A_892, %get3A_893, %get3A_894] : memref<2x13x128x128xbf16, #tpu.memory_space<vmem>>, vector<1x1x128x128xbf16>
    %get3A_896 = vector.shape_cast %get3A_895 : vector<1x1x128x128xbf16> to vector<128x128xbf16>
    %get3A_897 = arith.constant 1 : index
    %get3A_898 = arith.constant 11 : index
    %get3A_899 = arith.constant 0 : index
    %get3A_900 = arith.constant 0 : index
    %get3A_901 = vector.load %arg1[%get3A_897, %get3A_898, %get3A_899, %get3A_900] : memref<2x13x128x128xbf16, #tpu.memory_space<vmem>>, vector<1x1x128x128xbf16>
    %get3A_902 = vector.shape_cast %get3A_901 : vector<1x1x128x128xbf16> to vector<128x128xbf16>
    %add3A_903 = arith.addf %get3A_896, %get3A_902 : vector<128x128xbf16>
    %convert_element_type3A_904 = arith.extf %add3A_903 : vector<128x128xbf16> to vector<128x128xf32>
    %mul3A_905 = arith.constant 5.000000e-01 : f32
    %mul3A_906 = vector.broadcast %mul3A_905 : f32 to vector<128x128xf32>
    %mul3A_907 = arith.mulf %convert_element_type3A_904, %mul3A_906 : vector<128x128xf32>
    %slice3A_908 = vector.extract_strided_slice %dot_general3A_9 {offsets = [0, 1408], sizes = [128, 128], strides = [1, 1]} : vector<128x1664xf32> to vector<128x128xf32>
    %add3A_909 = arith.addf %mul3A_907, %slice3A_908 : vector<128x128xf32>
    %convert_element_type3A_910 = arith.truncf %add3A_909 : vector<128x128xf32> to vector<128x128xbf16>
    %dot_general3A_911 = arith.constant dense<0.000000e+00> : vector<128x512xf32>
    %dot_general3A_912 = tpu.matmul %convert_element_type3A_910, %get3A_2, %dot_general3A_911 {dimension_numbers = #tpu.dot_dimension_numbers<[1], [0], [0], [1], [0, 0, 1, 1], [], []>, transpose_lhs_hint = false} : vector<128x128xbf16>, vector<128x512xbf16>, vector<128x512xf32> -> vector<128x512xf32>
    %get3A_913 = arith.constant 0 : index
    %get3A_914 = arith.constant 0 : index
    %get3A_915 = vector.load %arg5[%get3A_913, %get3A_914] : memref<1x512xf32, #tpu.memory_space<vmem>>, vector<1x512xf32>
    %add3A_916 = vector.broadcast %get3A_915 : vector<1x512xf32> to vector<128x512xf32>
    %add3A_917 = arith.addf %dot_general3A_912, %add3A_916 : vector<128x512xf32>
    %logistic3A_918 = arith.negf %add3A_917 : vector<128x512xf32>
    %logistic3A_919 = math.exp %logistic3A_918 : vector<128x512xf32>
    %logistic3A_920 = arith.constant 1.000000e+00 : f32
    %logistic3A_921 = vector.broadcast %logistic3A_920 : f32 to vector<128x512xf32>
    %logistic3A_922 = arith.addf %logistic3A_921, %logistic3A_919 : vector<128x512xf32>
    %logistic3A_923 = arith.divf %logistic3A_921, %logistic3A_922 : vector<128x512xf32>
    %mul3A_924 = arith.mulf %add3A_917, %logistic3A_923 : vector<128x512xf32>
    %reduce_sum3A_925 = arith.constant dense<0.000000e+00> : vector<128xf32>
    %reduce_sum3A_926 = vector.multi_reduction <add>, %mul3A_924, %reduce_sum3A_925 [1] : vector<128x512xf32> to vector<128xf32>
    %broadcast_in_dim3A_927 = vector.shape_cast %reduce_sum3A_926 : vector<128xf32> to vector<128x1xf32>
    %div3A_928 = arith.constant 5.120000e+02 : f32
    %div3A_929 = vector.broadcast %div3A_928 : f32 to vector<128x1xf32>
    %div3A_930 = arith.divf %broadcast_in_dim3A_927, %div3A_929 : vector<128x1xf32>
    %sub3A_931 = vector.broadcast %div3A_930 : vector<128x1xf32> to vector<128x512xf32>
    %sub3A_932 = arith.subf %mul3A_924, %sub3A_931 : vector<128x512xf32>
    %mul3A_933 = arith.mulf %sub3A_932, %sub3A_932 : vector<128x512xf32>
    %reduce_sum3A_934 = arith.constant dense<0.000000e+00> : vector<128xf32>
    %reduce_sum3A_935 = vector.multi_reduction <add>, %mul3A_933, %reduce_sum3A_934 [1] : vector<128x512xf32> to vector<128xf32>
    %broadcast_in_dim3A_936 = vector.shape_cast %reduce_sum3A_935 : vector<128xf32> to vector<128x1xf32>
    %div3A_937 = arith.constant 5.120000e+02 : f32
    %div3A_938 = vector.broadcast %div3A_937 : f32 to vector<128x1xf32>
    %div3A_939 = arith.divf %broadcast_in_dim3A_936, %div3A_938 : vector<128x1xf32>
    %add3A_940 = arith.constant 9.99999974E-6 : f32
    %add3A_941 = vector.broadcast %add3A_940 : f32 to vector<128x1xf32>
    %add3A_942 = arith.addf %div3A_939, %add3A_941 : vector<128x1xf32>
    %rsqrt3A_943 = math.rsqrt %add3A_942 : vector<128x1xf32>
    %mul3A_944 = vector.broadcast %rsqrt3A_943 : vector<128x1xf32> to vector<128x512xf32>
    %mul3A_945 = arith.mulf %sub3A_932, %mul3A_944 : vector<128x512xf32>
    %get3A_946 = arith.constant 0 : index
    %get3A_947 = arith.constant 0 : index
    %get3A_948 = vector.load %arg6[%get3A_946, %get3A_947] : memref<1x512xf32, #tpu.memory_space<vmem>>, vector<1x512xf32>
    %mul3A_949 = vector.broadcast %get3A_948 : vector<1x512xf32> to vector<128x512xf32>
    %mul3A_950 = arith.mulf %mul3A_945, %mul3A_949 : vector<128x512xf32>
    %get3A_951 = arith.constant 0 : index
    %get3A_952 = arith.constant 0 : index
    %get3A_953 = vector.load %arg7[%get3A_951, %get3A_952] : memref<1x512xf32, #tpu.memory_space<vmem>>, vector<1x512xf32>
    %add3A_954 = vector.broadcast %get3A_953 : vector<1x512xf32> to vector<128x512xf32>
    %add3A_955 = arith.addf %mul3A_950, %add3A_954 : vector<128x512xf32>
    %mul3A_956 = arith.mulf %add3A_955, %add3A_955 : vector<128x512xf32>
    %reduce_sum3A_957 = arith.constant dense<0.000000e+00> : vector<128xf32>
    %reduce_sum3A_958 = vector.multi_reduction <add>, %mul3A_956, %reduce_sum3A_957 [1] : vector<128x512xf32> to vector<128xf32>
    %broadcast_in_dim3A_959 = vector.shape_cast %reduce_sum3A_958 : vector<128xf32> to vector<128x1xf32>
    %add3A_960 = arith.addf %add3A_879, %broadcast_in_dim3A_959 : vector<128x1xf32>
    %get3A_961 = arith.constant 11 : index
    %get3A_962 = arith.constant 0 : index
    %get3A_963 = arith.constant 0 : index
    %get3A_964 = vector.load %arg8[%get3A_961, %get3A_962, %get3A_963] : memref<13x1x512xf32, #tpu.memory_space<vmem>>, vector<1x1x512xf32>
    %get3A_965 = vector.shape_cast %get3A_964 : vector<1x1x512xf32> to vector<1x512xf32>
    %mul3A_966 = vector.broadcast %get3A_965 : vector<1x512xf32> to vector<128x512xf32>
    %mul3A_967 = arith.mulf %add3A_955, %mul3A_966 : vector<128x512xf32>
    %convert_element_type3A_968 = arith.truncf %mul3A_967 : vector<128x512xf32> to vector<128x512xbf16>
    %swap3A_969 = arith.constant 0 : index
    %swap3A_970 = arith.constant 5632 : index
    %swap3A_971 = vector.load %arg14[%swap3A_969, %swap3A_970] : memref<128x6656xbf16, #tpu.memory_space<vmem>>, vector<128x512xbf16>
    tpu.vector_store %arg14[%swap3A_969, %swap3A_970], %convert_element_type3A_968 {strides = array<i32>} : memref<128x6656xbf16, #tpu.memory_space<vmem>>, vector<128x512xbf16>,
    %get3A_972 = arith.constant 0 : index
    %get3A_973 = arith.constant 12 : index
    %get3A_974 = arith.constant 0 : index
    %get3A_975 = arith.constant 0 : index
    %get3A_976 = vector.load %arg1[%get3A_972, %get3A_973, %get3A_974, %get3A_975] : memref<2x13x128x128xbf16, #tpu.memory_space<vmem>>, vector<1x1x128x128xbf16>
    %get3A_977 = vector.shape_cast %get3A_976 : vector<1x1x128x128xbf16> to vector<128x128xbf16>
    %get3A_978 = arith.constant 1 : index
    %get3A_979 = arith.constant 12 : index
    %get3A_980 = arith.constant 0 : index
    %get3A_981 = arith.constant 0 : index
    %get3A_982 = vector.load %arg1[%get3A_978, %get3A_979, %get3A_980, %get3A_981] : memref<2x13x128x128xbf16, #tpu.memory_space<vmem>>, vector<1x1x128x128xbf16>
    %get3A_983 = vector.shape_cast %get3A_982 : vector<1x1x128x128xbf16> to vector<128x128xbf16>
    %add3A_984 = arith.addf %get3A_977, %get3A_983 : vector<128x128xbf16>
    %convert_element_type3A_985 = arith.extf %add3A_984 : vector<128x128xbf16> to vector<128x128xf32>
    %mul3A_986 = arith.constant 5.000000e-01 : f32
    %mul3A_987 = vector.broadcast %mul3A_986 : f32 to vector<128x128xf32>
    %mul3A_988 = arith.mulf %convert_element_type3A_985, %mul3A_987 : vector<128x128xf32>
    %slice3A_989 = vector.extract_strided_slice %dot_general3A_9 {offsets = [0, 1536], sizes = [128, 128], strides = [1, 1]} : vector<128x1664xf32> to vector<128x128xf32>
    %add3A_990 = arith.addf %mul3A_988, %slice3A_989 : vector<128x128xf32>
    %convert_element_type3A_991 = arith.truncf %add3A_990 : vector<128x128xf32> to vector<128x128xbf16>
    %dot_general3A_992 = arith.constant dense<0.000000e+00> : vector<128x512xf32>
    %dot_general3A_993 = tpu.matmul %convert_element_type3A_991, %get3A_2, %dot_general3A_992 {dimension_numbers = #tpu.dot_dimension_numbers<[1], [0], [0], [1], [0, 0, 1, 1], [], []>, transpose_lhs_hint = false} : vector<128x128xbf16>, vector<128x512xbf16>, vector<128x512xf32> -> vector<128x512xf32>
    %get3A_994 = arith.constant 0 : index
    %get3A_995 = arith.constant 0 : index
    %get3A_996 = vector.load %arg5[%get3A_994, %get3A_995] : memref<1x512xf32, #tpu.memory_space<vmem>>, vector<1x512xf32>
    %add3A_997 = vector.broadcast %get3A_996 : vector<1x512xf32> to vector<128x512xf32>
    %add3A_998 = arith.addf %dot_general3A_993, %add3A_997 : vector<128x512xf32>
    %logistic3A_999 = arith.negf %add3A_998 : vector<128x512xf32>
    %logistic3A_1000 = math.exp %logistic3A_999 : vector<128x512xf32>
    %logistic3A_1001 = arith.constant 1.000000e+00 : f32
    %logistic3A_1002 = vector.broadcast %logistic3A_1001 : f32 to vector<128x512xf32>
    %logistic3A_1003 = arith.addf %logistic3A_1002, %logistic3A_1000 : vector<128x512xf32>
    %logistic3A_1004 = arith.divf %logistic3A_1002, %logistic3A_1003 : vector<128x512xf32>
    %mul3A_1005 = arith.mulf %add3A_998, %logistic3A_1004 : vector<128x512xf32>
    %reduce_sum3A_1006 = arith.constant dense<0.000000e+00> : vector<128xf32>
    %reduce_sum3A_1007 = vector.multi_reduction <add>, %mul3A_1005, %reduce_sum3A_1006 [1] : vector<128x512xf32> to vector<128xf32>
    %broadcast_in_dim3A_1008 = vector.shape_cast %reduce_sum3A_1007 : vector<128xf32> to vector<128x1xf32>
    %div3A_1009 = arith.constant 5.120000e+02 : f32
    %div3A_1010 = vector.broadcast %div3A_1009 : f32 to vector<128x1xf32>
    %div3A_1011 = arith.divf %broadcast_in_dim3A_1008, %div3A_1010 : vector<128x1xf32>
    %sub3A_1012 = vector.broadcast %div3A_1011 : vector<128x1xf32> to vector<128x512xf32>
    %sub3A_1013 = arith.subf %mul3A_1005, %sub3A_1012 : vector<128x512xf32>
    %mul3A_1014 = arith.mulf %sub3A_1013, %sub3A_1013 : vector<128x512xf32>
    %reduce_sum3A_1015 = arith.constant dense<0.000000e+00> : vector<128xf32>
    %reduce_sum3A_1016 = vector.multi_reduction <add>, %mul3A_1014, %reduce_sum3A_1015 [1] : vector<128x512xf32> to vector<128xf32>
    %broadcast_in_dim3A_1017 = vector.shape_cast %reduce_sum3A_1016 : vector<128xf32> to vector<128x1xf32>
    %div3A_1018 = arith.constant 5.120000e+02 : f32
    %div3A_1019 = vector.broadcast %div3A_1018 : f32 to vector<128x1xf32>
    %div3A_1020 = arith.divf %broadcast_in_dim3A_1017, %div3A_1019 : vector<128x1xf32>
    %add3A_1021 = arith.constant 9.99999974E-6 : f32
    %add3A_1022 = vector.broadcast %add3A_1021 : f32 to vector<128x1xf32>
    %add3A_1023 = arith.addf %div3A_1020, %add3A_1022 : vector<128x1xf32>
    %rsqrt3A_1024 = math.rsqrt %add3A_1023 : vector<128x1xf32>
    %mul3A_1025 = vector.broadcast %rsqrt3A_1024 : vector<128x1xf32> to vector<128x512xf32>
    %mul3A_1026 = arith.mulf %sub3A_1013, %mul3A_1025 : vector<128x512xf32>
    %get3A_1027 = arith.constant 0 : index
    %get3A_1028 = arith.constant 0 : index
    %get3A_1029 = vector.load %arg6[%get3A_1027, %get3A_1028] : memref<1x512xf32, #tpu.memory_space<vmem>>, vector<1x512xf32>
    %mul3A_1030 = vector.broadcast %get3A_1029 : vector<1x512xf32> to vector<128x512xf32>
    %mul3A_1031 = arith.mulf %mul3A_1026, %mul3A_1030 : vector<128x512xf32>
    %get3A_1032 = arith.constant 0 : index
    %get3A_1033 = arith.constant 0 : index
    %get3A_1034 = vector.load %arg7[%get3A_1032, %get3A_1033] : memref<1x512xf32, #tpu.memory_space<vmem>>, vector<1x512xf32>
    %add3A_1035 = vector.broadcast %get3A_1034 : vector<1x512xf32> to vector<128x512xf32>
    %add3A_1036 = arith.addf %mul3A_1031, %add3A_1035 : vector<128x512xf32>
    %mul3A_1037 = arith.mulf %add3A_1036, %add3A_1036 : vector<128x512xf32>
    %reduce_sum3A_1038 = arith.constant dense<0.000000e+00> : vector<128xf32>
    %reduce_sum3A_1039 = vector.multi_reduction <add>, %mul3A_1037, %reduce_sum3A_1038 [1] : vector<128x512xf32> to vector<128xf32>
    %broadcast_in_dim3A_1040 = vector.shape_cast %reduce_sum3A_1039 : vector<128xf32> to vector<128x1xf32>
    %add3A_1041 = arith.addf %add3A_960, %broadcast_in_dim3A_1040 : vector<128x1xf32>
    %get3A_1042 = arith.constant 12 : index
    %get3A_1043 = arith.constant 0 : index
    %get3A_1044 = arith.constant 0 : index
    %get3A_1045 = vector.load %arg8[%get3A_1042, %get3A_1043, %get3A_1044] : memref<13x1x512xf32, #tpu.memory_space<vmem>>, vector<1x1x512xf32>
    %get3A_1046 = vector.shape_cast %get3A_1045 : vector<1x1x512xf32> to vector<1x512xf32>
    %mul3A_1047 = vector.broadcast %get3A_1046 : vector<1x512xf32> to vector<128x512xf32>
    %mul3A_1048 = arith.mulf %add3A_1036, %mul3A_1047 : vector<128x512xf32>
    %convert_element_type3A_1049 = arith.truncf %mul3A_1048 : vector<128x512xf32> to vector<128x512xbf16>
    %swap3A_1050 = arith.constant 0 : index
    %swap3A_1051 = arith.constant 6144 : index
    %swap3A_1052 = vector.load %arg14[%swap3A_1050, %swap3A_1051] : memref<128x6656xbf16, #tpu.memory_space<vmem>>, vector<128x512xbf16>
    tpu.vector_store %arg14[%swap3A_1050, %swap3A_1051], %convert_element_type3A_1049 {strides = array<i32>} : memref<128x6656xbf16, #tpu.memory_space<vmem>>, vector<128x512xbf16>,
    %mul3A_1053 = arith.constant 1.5024039E-4 : f32
    %mul3A_1054 = vector.broadcast %mul3A_1053 : f32 to vector<128x1xf32>
    %mul3A_1055 = arith.mulf %add3A_1041, %mul3A_1054 : vector<128x1xf32>
    %add3A_1056 = arith.constant 9.99999997E-7 : f32
    %add3A_1057 = vector.broadcast %add3A_1056 : f32 to vector<128x1xf32>
    %add3A_1058 = arith.addf %mul3A_1055, %add3A_1057 : vector<128x1xf32>
    %rsqrt3A_1059 = math.rsqrt %add3A_1058 : vector<128x1xf32>
    %get3A_1060 = arith.constant 0 : index
    %get3A_1061 = arith.constant 0 : index
    %get3A_1062 = vector.load %arg14[%get3A_1060, %get3A_1061] : memref<128x6656xbf16, #tpu.memory_space<vmem>>, vector<128x6656xbf16>
    %get3A_1063 = arith.constant 0 : index
    %get3A_1064 = arith.constant 0 : index
    %get3A_1065 = vector.load %arg9[%get3A_1063, %get3A_1064] : memref<6656x4096xbf16, #tpu.memory_space<vmem>>, vector<6656x4096xbf16>
    %dot_general3A_1066 = arith.constant dense<0.000000e+00> : vector<128x4096xf32>
    %dot_general3A_1067 = tpu.matmul %get3A_1062, %get3A_1065, %dot_general3A_1066 {dimension_numbers = #tpu.dot_dimension_numbers<[1], [0], [0], [1], [0, 0, 1, 1], [], []>, transpose_lhs_hint = false} : vector<128x6656xbf16>, vector<6656x4096xbf16>, vector<128x4096xf32> -> vector<128x4096xf32>
    %mul3A_1068 = vector.broadcast %rsqrt3A_1059 : vector<128x1xf32> to vector<128x4096xf32>
    %mul3A_1069 = arith.mulf %dot_general3A_1067, %mul3A_1068 : vector<128x4096xf32>
    %get3A_1070 = arith.constant 0 : index
    %get3A_1071 = arith.constant 0 : index
    %get3A_1072 = vector.load %arg10[%get3A_1070, %get3A_1071] : memref<1x4096xf32, #tpu.memory_space<vmem>>, vector<1x4096xf32>
    %add3A_1073 = vector.broadcast %get3A_1072 : vector<1x4096xf32> to vector<128x4096xf32>
    %add3A_1074 = arith.addf %mul3A_1069, %add3A_1073 : vector<128x4096xf32>
    %logistic3A_1075 = arith.negf %add3A_1074 : vector<128x4096xf32>
    %logistic3A_1076 = math.exp %logistic3A_1075 : vector<128x4096xf32>
    %logistic3A_1077 = arith.constant 1.000000e+00 : f32
    %logistic3A_1078 = vector.broadcast %logistic3A_1077 : f32 to vector<128x4096xf32>
    %logistic3A_1079 = arith.addf %logistic3A_1078, %logistic3A_1076 : vector<128x4096xf32>
    %logistic3A_1080 = arith.divf %logistic3A_1078, %logistic3A_1079 : vector<128x4096xf32>
    %mul3A_1081 = arith.mulf %add3A_1074, %logistic3A_1080 : vector<128x4096xf32>
    %reduce_sum3A_1082 = arith.constant dense<0.000000e+00> : vector<128xf32>
    %reduce_sum3A_1083 = vector.multi_reduction <add>, %mul3A_1081, %reduce_sum3A_1082 [1] : vector<128x4096xf32> to vector<128xf32>
    %broadcast_in_dim3A_1084 = vector.shape_cast %reduce_sum3A_1083 : vector<128xf32> to vector<128x1xf32>
    %div3A_1085 = arith.constant 4.096000e+03 : f32
    %div3A_1086 = vector.broadcast %div3A_1085 : f32 to vector<128x1xf32>
    %div3A_1087 = arith.divf %broadcast_in_dim3A_1084, %div3A_1086 : vector<128x1xf32>
    %sub3A_1088 = vector.broadcast %div3A_1087 : vector<128x1xf32> to vector<128x4096xf32>
    %sub3A_1089 = arith.subf %mul3A_1081, %sub3A_1088 : vector<128x4096xf32>
    %mul3A_1090 = arith.mulf %sub3A_1089, %sub3A_1089 : vector<128x4096xf32>
    %reduce_sum3A_1091 = arith.constant dense<0.000000e+00> : vector<128xf32>
    %reduce_sum3A_1092 = vector.multi_reduction <add>, %mul3A_1090, %reduce_sum3A_1091 [1] : vector<128x4096xf32> to vector<128xf32>
    %broadcast_in_dim3A_1093 = vector.shape_cast %reduce_sum3A_1092 : vector<128xf32> to vector<128x1xf32>
    %div3A_1094 = arith.constant 4.096000e+03 : f32
    %div3A_1095 = vector.broadcast %div3A_1094 : f32 to vector<128x1xf32>
    %div3A_1096 = arith.divf %broadcast_in_dim3A_1093, %div3A_1095 : vector<128x1xf32>
    %add3A_1097 = arith.constant 9.99999974E-6 : f32
    %add3A_1098 = vector.broadcast %add3A_1097 : f32 to vector<128x1xf32>
    %add3A_1099 = arith.addf %div3A_1096, %add3A_1098 : vector<128x1xf32>
    %rsqrt3A_1100 = math.rsqrt %add3A_1099 : vector<128x1xf32>
    %mul3A_1101 = vector.broadcast %rsqrt3A_1100 : vector<128x1xf32> to vector<128x4096xf32>
    %mul3A_1102 = arith.mulf %sub3A_1089, %mul3A_1101 : vector<128x4096xf32>
    %get3A_1103 = arith.constant 0 : index
    %get3A_1104 = arith.constant 0 : index
    %get3A_1105 = vector.load %arg11[%get3A_1103, %get3A_1104] : memref<1x4096xf32, #tpu.memory_space<vmem>>, vector<1x4096xf32>
    %mul3A_1106 = vector.broadcast %get3A_1105 : vector<1x4096xf32> to vector<128x4096xf32>
    %mul3A_1107 = arith.mulf %mul3A_1102, %mul3A_1106 : vector<128x4096xf32>
    %get3A_1108 = arith.constant 0 : index
    %get3A_1109 = arith.constant 0 : index
    %get3A_1110 = vector.load %arg12[%get3A_1108, %get3A_1109] : memref<1x4096xf32, #tpu.memory_space<vmem>>, vector<1x4096xf32>
    %add3A_1111 = vector.broadcast %get3A_1110 : vector<1x4096xf32> to vector<128x4096xf32>
    %add3A_1112 = arith.addf %mul3A_1107, %add3A_1111 : vector<128x4096xf32>
    %swap3A_1113 = arith.constant 0 : index
    %swap3A_1114 = arith.constant 0 : index
    %swap3A_1115 = vector.load %arg13[%swap3A_1113, %swap3A_1114] : memref<128x4096xf32, #tpu.memory_space<vmem>>, vector<128x4096xf32>
    tpu.vector_store %arg13[%swap3A_1113, %swap3A_1114], %add3A_1112 {strides = array<i32>} : memref<128x4096xf32, #tpu.memory_space<vmem>>, vector<128x4096xf32>,
    return
  }
  func.func @transform_0(%arg0: i32) -> (i32, i32, i32, i32) {
    %c0_i32 = arith.constant 0 : i32
    %c0_i32_0 = arith.constant 0 : i32
    %c0_i32_1 = arith.constant 0 : i32
    %c0_i32_2 = arith.constant 0 : i32
    return %c0_i32, %c0_i32_0, %arg0, %c0_i32_1 : i32, i32, i32, i32
  }
  func.func @transform_1(%arg0: i32) -> (i32, i32) {
    %c0_i32 = arith.constant 0 : i32
    %c0_i32_0 = arith.constant 0 : i32
    return %arg0, %c0_i32 : i32, i32
  }
  func.func @transform_2(%arg0: i32) -> (i32, i32) {
    %c0_i32 = arith.constant 0 : i32
    %c0_i32_0 = arith.constant 0 : i32
    %c0_i32_1 = arith.constant 0 : i32
    return %c0_i32, %c0_i32_0 : i32, i32
  }
  func.func @transform_3(%arg0: i32) -> (i32, i32) {
    %c0_i32 = arith.constant 0 : i32
    %c0_i32_0 = arith.constant 0 : i32
    %c0_i32_1 = arith.constant 0 : i32
    return %c0_i32, %c0_i32_0 : i32, i32
  }
  func.func @transform_4(%arg0: i32) -> (i32, i32) {
    %c0_i32 = arith.constant 0 : i32
    %c0_i32_0 = arith.constant 0 : i32
    %c0_i32_1 = arith.constant 0 : i32
    return %c0_i32, %c0_i32_0 : i32, i32
  }
  func.func @transform_5(%arg0: i32) -> (i32, i32) {
    %c0_i32 = arith.constant 0 : i32
    %c0_i32_0 = arith.constant 0 : i32
    %c0_i32_1 = arith.constant 0 : i32
    return %c0_i32, %c0_i32_0 : i32, i32
  }
  func.func @transform_6(%arg0: i32) -> (i32, i32) {
    %c0_i32 = arith.constant 0 : i32
    %c0_i32_0 = arith.constant 0 : i32
    %c0_i32_1 = arith.constant 0 : i32
    return %c0_i32, %c0_i32_0 : i32, i32
  }
  func.func @transform_7(%arg0: i32) -> (i32, i32, i32) {
    %c0_i32 = arith.constant 0 : i32
    %c0_i32_0 = arith.constant 0 : i32
    %c0_i32_1 = arith.constant 0 : i32
    %c0_i32_2 = arith.constant 0 : i32
    return %c0_i32, %c0_i32_0, %c0_i32_1 : i32, i32, i32
  }
  func.func @transform_8(%arg0: i32) -> (i32, i32) {
    %c0_i32 = arith.constant 0 : i32
    %c0_i32_0 = arith.constant 0 : i32
    %c0_i32_1 = arith.constant 0 : i32
    return %c0_i32, %c0_i32_0 : i32, i32
  }
  func.func @transform_9(%arg0: i32) -> (i32, i32) {
    %c0_i32 = arith.constant 0 : i32
    %c0_i32_0 = arith.constant 0 : i32
    %c0_i32_1 = arith.constant 0 : i32
    return %c0_i32, %c0_i32_0 : i32, i32
  }
  func.func @transform_10(%arg0: i32) -> (i32, i32) {
    %c0_i32 = arith.constant 0 : i32
    %c0_i32_0 = arith.constant 0 : i32
    %c0_i32_1 = arith.constant 0 : i32
    return %c0_i32, %c0_i32_0 : i32, i32
  }
  func.func @transform_11(%arg0: i32) -> (i32, i32) {
    %c0_i32 = arith.constant 0 : i32
    %c0_i32_0 = arith.constant 0 : i32
    %c0_i32_1 = arith.constant 0 : i32
    return %c0_i32, %c0_i32_0 : i32, i32
  }
  func.func @transform_12(%arg0: i32) -> (i32, i32) {
    %c0_i32 = arith.constant 0 : i32
    %c0_i32_0 = arith.constant 0 : i32
    return %arg0, %c0_i32 : i32, i32
  }
}

</mosaic_0001>

<sc_bundles>
// kernel: kernel.6.cloned.1.call-start
scs
__scs_entry_jumppad:
0x0: {  	(pc) =	sbr.rel $0x88, $3  }
0x1: {  	(tag) =	ssettag $0x0;
	lr =	simm.s32 $0x1  }
0x2: {  	[smem:$0x3F94] =	sst lr;
	_ =	strace $0xD0000000  }
0x3: {  	_ = 	snop  }
0x4: {  	_ = 	snop  }
0x5: {  	_ = 	snop  }
0x6: {  	_ = 	snop  }
0x7: {  	_ = 	snop  }
__scs_overlays_trampoline_lowered:
0x8: {  	[smem:$0x3FA3] =	sst s0  }
0x9: {  	[smem:$0x3FA4] =	sst s1  }
0xa: {  	[smem:$0x3FA5] =	sst s2  }
0xb: {  	[smem:$0x3FA6] =	sst s3  }
0xc: {  	[smem:$0x3FA7] =	sst s4  }
0xd: {  	[smem:$0x3FA8] =	sst s5  }
0xe: {  	[smem:$0x3FA9] =	sst s6  }
0xf: {  	[smem:$0x3FAA] =	sst s7  }
0x10: {  	[smem:$0x3FAB] =	sst s8  }
0x11: {  	[smem:$0x3FAC] =	sst s9;
	s0 =	simm.s32 @!p0 $0x0  }
0x12: {  	s1 =	sld [smem:$0x3F92];
	s0 =	simm.s32 @p0 $0x1  }
0x13: {  	[smem:$0x3FAD] =	sst s0;
	s0 =	simm.s32 @!p1 $0x0  }
0x14: {  	s2 =	sld [smem:$0x3F91];
	s0 =	simm.s32 @p1 $0x1  }
0x15: {  	[smem:$0x3FAE] =	sst s0;
	s0 =	simm.s32 @!p2 $0x0  }
0x16: {  	s3 =	sld [smem:$0x3FDB];
	s0 =	simm.s32 @p2 $0x1  }
0x17: {  	s4 =	simm.s32 $0x1BF5;
	[smem:$0x3FB0] =	sst s0  }
0x18: {  	s0 =	sld [smem:$0x3F93];
	_ =	swait.ge [sflag:s4], $0x0  }
0x19: {  	s7 =	sld [smem:$0x3F94]  }
0x1a: {  	s8 =	sadd.s32 $0xFFFFE003, lr  }
0x1b: {  	s9 =	sadd.s32 $0xFFFFFEF7, lr;
	s5 =	simm.s32 $0xFFFFFFFF;
	p2 =	slt.u32 s8, $0xFFFFF086  }
0x1c: {  	p1 =	slt.u32 s9, $0xF7A;
	s5 =	simm.s32 @!p2 $0x0  }
0x1d: {  	s5 =	simm.s32 @p1 $0x1;
	p0 =	seq.s32 s7, s2  }
0x1e: {  	s7 =	smul.u32 @!p0 $0xF7A, s2;
	p2 =	seq.s32 @!p0 s5, $0x0  }
0x1f: {  	s9 =	smul.u32 $0xF7A, s1;
	s8 =	simm.s32 @!p0 $0x1BF5;
	p2 =	por !p2, p0  }
0x20: {  	[sflag:s8] =	ssyncset.s32 @!p0 $0xFFFFF086;
	s6 =	sadd.s32 @!p0 s3, s7;
	s7 =	simm.s32 @!p0 $0x108  }
0x21: {  	s3 =	sadd.s32 s3, s9;
	s6 =	sadd.s32 @!p0 $0x88, s6;
	s7 =	simm.s32 @p2 $0x1082  }
0x22: {  	[simem:s7], [sflag:s8] =	dma.local @!p0 [hbm:s6], $0xF7A  }
0x23: {  	s9 =	sor.u32 $0xD0000000, s2;
	s6 =	simm.s32 $0x108;
	_ =	swait.ge @!p0 [sflag:s8], $0x0  }
0x24: {  	s3 =	sadd.s32 $0x88, s3;
	s6 =	simm.s32 @!p1 $0x1082;
	[sflag:s4] =	ssyncset.s32 $0xFFFFF086  }
0x25: {  	[simem:s6], [sflag:s4] =	dma.local [hbm:s3], $0xF7A  }
0x26: {  	[smem:$0x3F94] =	sst s1;
	(tag) =	ssettag s2;
	_ =	strace s9  }
0x27: {  	s1 =	sld [smem:$0x3FA4]  }
0x28: {  	s2 =	sld [smem:$0x3FA5]  }
0x29: {  	s4 =	sld [smem:$0x3FA7]  }
0x2a: {  	p0 =	seq.s32 s5, $0x0;
	s5 =	sld [smem:$0x3FA8]  }
0x2b: {  	s6 =	sld [smem:$0x3FA9]  }
0x2c: {  	s7 =	sld [smem:$0x3FAA]  }
0x2d: {  	s3 =	simm.s32 $0x108;
	s8 =	sld [smem:$0x3FAB]  }
0x2e: {  	s3 =	simm.s32 @!p0 $0x1082;
	s9 =	sld [smem:$0x3FAC]  }
0x2f: {  	lr =	sadd.s32 s0, s3;
	s0 =	sld [smem:$0x3FA3]  }
0x30: {  	s3 =	sld [smem:$0x3FA6]  }
0x31: {  	[smem:$0x3FAF] =	sst s10  }
0x32: {  	s10 =	sld [smem:$0x3FAD];
	_ =	sdelay $0x3  }
0x33: {  	p0 =	seq.s32 s10, $0x1;
	s10 =	sld [smem:$0x3FAF];
	_ =	sdelay $0x3  }
0x34: {  	[smem:$0x3FAF] =	sst s10  }
0x35: {  	s10 =	sld [smem:$0x3FAE];
	_ =	sdelay $0x3  }
0x36: {  	p1 =	seq.s32 s10, $0x1;
	s10 =	sld [smem:$0x3FAF];
	_ =	sdelay $0x3  }
0x37: {  	[smem:$0x3FAF] =	sst s10  }
0x38: {  	s10 =	sld [smem:$0x3FB0]  }
0x39: {  	_ = 	snop;
	(pc) =	sbr.ind lr, $3  }
0x3a: {  	_ = 	snop  }
0x3b: {  	_ = 	snop  }
0x3c: {  	p2 =	seq.s32 s10, $0x1;
	s10 =	sld [smem:$0x3FAF]  }
0x3d: {  	_ =	shalt  }
0x3e: {  	_ =	shalt  }
0x3f: {  	_ =	shalt  }
0x40: {  	_ =	shalt  }
0x41: {  	_ =	shalt  }
0x42: {  	_ =	shalt  }
0x43: {  	_ =	shalt  }
0x44: {  	_ =	shalt  }
0x45: {  	_ =	shalt  }
0x46: {  	_ =	shalt  }
0x47: {  	_ =	shalt  }
0x48: {  	_ =	shalt  }
0x49: {  	_ =	shalt  }
0x4a: {  	_ =	shalt  }
0x4b: {  	_ =	shalt  }
0x4c: {  	_ =	shalt  }
0x4d: {  	_ =	shalt  }
0x4e: {  	_ =	shalt  }
0x4f: {  	_ =	shalt  }
0x50: {  	_ =	shalt  }
0x51: {  	_ =	shalt  }
0x52: {  	_ =	shalt  }
0x53: {  	_ =	shalt  }
0x54: {  	_ =	shalt  }
0x55: {  	_ =	shalt  }
0x56: {  	_ =	shalt  }
0x57: {  	_ =	shalt  }
0x58: {  	_ =	shalt  }
0x59: {  	_ =	shalt  }
0x5a: {  	_ =	shalt  }
0x5b: {  	_ =	shalt  }
0x5c: {  	_ =	shalt  }
0x5d: {  	_ =	shalt  }
0x5e: {  	_ =	shalt  }
0x5f: {  	_ =	shalt  }
0x60: {  	_ =	shalt  }
0x61: {  	_ =	shalt  }
0x62: {  	_ =	shalt  }
0x63: {  	_ =	shalt  }
0x64: {  	_ =	shalt  }
0x65: {  	_ =	shalt  }
0x66: {  	_ =	shalt  }
0x67: {  	_ =	shalt  }
0x68: {  	_ =	shalt  }
0x69: {  	_ =	shalt  }
0x6a: {  	_ =	shalt  }
0x6b: {  	_ =	shalt  }
0x6c: {  	_ =	shalt  }
0x6d: {  	_ =	shalt  }
0x6e: {  	_ =	shalt  }
0x6f: {  	_ =	shalt  }
0x70: {  	_ =	shalt  }
0x71: {  	_ =	shalt  }
0x72: {  	_ =	shalt  }
0x73: {  	_ =	shalt  }
0x74: {  	_ =	shalt  }
0x75: {  	_ =	shalt  }
0x76: {  	_ =	shalt  }
0x77: {  	_ =	shalt  }
0x78: {  	_ =	shalt  }
0x79: {  	_ =	shalt  }
0x7a: {  	_ =	shalt  }
0x7b: {  	_ =	shalt  }
0x7c: {  	_ =	shalt  }
0x7d: {  	_ =	shalt  }
0x7e: {  	_ =	shalt  }
0x7f: {  	_ =	shalt  }
0x80: {  	_ =	shalt  }
0x81: {  	_ =	shalt  }
0x82: {  	_ =	shalt  }
0x83: {  	_ =	shalt  }
0x84: {  	_ =	shalt  }
0x85: {  	_ =	shalt  }
0x86: {  	_ =	shalt  }
0x87: {  	_ =	shalt  }
.Lfunc_end0:
.L_simem_size_0:
called_computation_lowered:
.L_overlay_start_0:
0x88: {  	s2 =	sld [smem:$0x3FD9]  }
0x89: {  	s3 =	sld [smem:$0x3FFE];
	_ =	sdelay $0x1  }
0x8a: {  	s1 =	srdreg.scid  }
0x8b: {  	s0 =	sand.u32 $0x1, s1  }
0x8c: {  	s17 =	sshll.u32 s0, $0xA;
	s2 =	sadd.s32 s3, s2  }
0x8d: {  	s2 =	sadd.s32 s2, s17  }
0x8e: {  	[smem:$0x3FBB] =	sst s2  }
0x8f: {  	_ = 	snop  }
0x90: {  	s18 =	sld [smem:$0x3FC7];
	(tm) =	ssettm $0x1  }
0x91: {  	s19 =	sld [smem:$0x3FFB];
	_ =	sdelay $0x3  }
0x92: {  	_ =	strace s19  }
0x93: {  	s2 =	sld [smem:$0x3FFC];
	_ =	sdelay $0x3  }
0x94: {  	_ =	strace s2  }
0x95: {  	s2 =	sld [smem:$0x3FFD];
	_ =	sdelay $0x3  }
0x96: {  	_ =	strace s2  }
0x97: {  	_ =	strace $0x8FFFFFFF  }
0x98: {  	s20 =	sld [smem:$0x3FDB];
	_ =	sdelay $0x1  }
0x99: {  	s4 =	simm.s32 $_scs_section_size  }
0x9a: {  	s5 =	simm.s32 $_size__tile_overlayer_lowered;
	s6 =	simm.s32 $_tile_overlayer_lowered  }
0x9b: {  	s7 =	simm.s32 $0x1BFF;
	s21 =	sshll.u32 s6, $0x1;
	s4 =	sadd.s32 s4, s20  }
0x9c: {  	s22 =	simm.s32 $0x0;
	s5 =	sshll.u32 s5, $0x1;
	s6 =	sadd.s32 s21, s4  }
0x9d: {  	[timem:s22], [sflag:s7] =	dma.local [hbm:s6], s5  }
0x9e: {  	_ =	swait.ge [sflag:s7], s5  }
0x9f: {  	s5 =	ssub.s32 $0x0, s5;
	[sflag:s7] =	ssyncset.done $0x0  }
0xa0: {  	[sflag:s7] =	ssyncadd.s32 s5;
	_ =	sdelay $0x1  }
0xa1: {  	s23 =	simm.s32 $0x1B8B  }
0xa2: {  	_ =	swait.ge [sflag:s23], $0x1  }
0xa3: {  	[sflag:s23] =	ssyncset.done $0x0  }
0xa4: {  	[sflag:s23] =	ssyncadd.s32 $0xFFFFFFFF  }
0xa5: {  	s5 =	sld [smem:$0x0]  }
0xa6: {  	s6 =	sand.u32 $0xFFFFFFFE, s1  }
0xa7: {  	p0 =	sne.s32 s1, s6  }
0xa8: {  	s6 =	sshll.u32 @p0 s6, $0xE  }
0xa9: {  	s6 =	sadd.s32 @p0 $0x11B8D, s6;
	s7 =	sshll.u32 @p0 s5, $0x11  }
0xaa: {  	s6 =	sor.u32 @p0 s7, s6  }
0xab: {  	[sflag:s6] =	ssyncadd.remote.s32 @p0 $0x1;
	_ =	sdelay $0x1  }
0xac: {  	s6 =	simm.s32 @p0 $0x1B8D  }
0xad: {  	_ =	swait.eq @p0 [sflag:s6], $0x1  }
0xae: {  	[sflag:s6] =	ssyncadd.s32 @p0 $0xFFFFFFFF  }
0xaf: {  	s7 =	sshll.u32 @!p0 s1, $0xE  }
0xb0: {  	s7 =	sor.u32 @!p0 $0x4000, s7;
	s6 =	simm.s32 @!p0 $0x1B8D  }
0xb1: {  	s5 =	sshll.u32 @!p0 s5, $0x11;
	s7 =	sadd.s32 @!p0 $0x11B8D, s7;
	_ =	swait.eq @!p0 [sflag:s6], $0x1  }
0xb2: {  	s5 =	sor.u32 @!p0 s5, s7;
	[sflag:s6] =	ssyncadd.s32 @!p0 $0xFFFFFFFF  }
0xb3: {  	s25 =	simm.s32 $0x1B8E;
	s24 =	sld [smem:$0x3FFE];
	[sflag:s5] =	ssyncadd.remote.s32 @!p0 $0x1  }
0xb4: {  	s26 =	simm.s32 $execute0_lowered;
	[smem:$0x3FD2] =	sst s25  }
0xb5: {  	s6 =	sshll.u32 s26, $0x1;
	_ =	strace $0x80000049;
	[dreg:$0x1] =	wrdreg $0xFFFFFFFF  }
0xb6: {  	s28 =	simm.s32 $_size_execute0_lowered;
	s4 =	sadd.s32 s4, s6;
	[dreg:$0x0] =	wrdreg $0x0  }
0xb7: {  	s6 =	sshll.u32 s28, $0x1;
	[dreg:$0x2] =	wrdreg s4  }
0xb8: {  	[dreg:$0x3] =	wrdreg s6  }
0xb9: {  	[dreg:$0x4] =	wrdreg $0xC0  }
0xba: {  	_ =	task [dreg:s22], $0x5FFFF  }
0xbb: {  	[dreg:$0x1] =	wrdreg $0xFFFFFFFF  }
0xbc: {  	[dreg:$0x0] =	wrdreg $0x60  }
0xbd: {  	[dreg:$0x2] =	wrdreg s18  }
0xbe: {  	[dreg:$0x3] =	wrdreg s24  }
0xbf: {  	[dreg:$0x4] =	wrdreg $0x9  }
0xc0: {  	_ =	task.clear_ibuf [dreg:s22], $0x5FFFF;
	_ =	strace $0x90000049  }
0xc1: {  	s29 =	simm.s32 $0x9;
	_ =	strace $0x8000004B  }
0xc2: {  	_ =	swait.ge [sflag:s29], $0x1  }
0xc3: {  	[sflag:s29] =	ssyncadd.s32 $0xFFFFFFFF  }
0xc4: {  	_ =	strace $0x9000004B  }
0xc5: {  	_ =	sfence  }
0xc6: {  	s30 =	sld [smem:$0x0];
	_ =	sdelay $0x2  }
0xc7: {  	s31 =	sshll.u32 s1, $0xD;
	s1 =	sshrl.u32 s1, $0x2  }
0xc8: {  	s4 =	sand.u32 $0x4000, s31;
	s1 =	sadd.s32 s1, s30  }
0xc9: {  	s0 =	sor.u32 s4, s0;
	s1 =	sshll.u32 s1, $0x11  }
0xca: {  	s0 =	sor.u32 s1, s0  }
0xcb: {  	s0 =	sadd.s32 $0x8F2B, s0  }
0xcc: {  	[sflag:s0] =	ssyncadd.remote.s32 $0x1  }
0xcd: {  	_ =	sfence.sel $0xFFFF  }
0xce: {  	[dreg:$0x0] =	wrdreg $0xFFFFFFFF;
	(pc) =	sbr.abs _section_cstart, $3  }
0xcf: {  	[dreg:$0x1] =	wrdreg $0xFFFFFFFF  }
0xd0: {  	_ =	task.clear_ibuf [dreg:s22], $0x2FFFF;
	_ =	strace $0x9FFFFFFF  }
0xd1: {  	(tm) =	ssettm $0x7FFFFFFF  }
tec
execute0_lowered:
.L_overlay_start_1:
0x0: {  	(tag) =	ssettag $0x1  }
0x1: {  	s1 =	srdreg.scid;
	s0 =	stileid.u32  }
0x2: {  	s20 =	sand.u32 $0x1, s1;
	s26 =	sshll.u32 s0, $0x1  }
0x3: {  	s12 =	sor.u32 s20, s26  }
0x4: {  	s2 =	rddreg [dreg:$0x0];
	s18 =	smul.u32 $0x1A0, s12  }
0x5: {  	s13 =	rddreg [dreg:$0x1];
	s3 =	simm.s32 $0x0;
	s5 =	simm.s32 $0x5  }
0x6: {  	[smem:$0x7FF] =	sst s3;
	s19 =	sadd.s32 $0x1C00, s13;
	s4 =	sshrl.u32 s18, $0x3  }
0x7: {  	s1 =	rddreg [dreg:$0x2];
	_ =	strace $0x8000004A;
	s4 =	sadd.s32 s19, s4  }
0x8: {  	[tilespmem:s3], [sflag:$0x5] =	stream.linear.gather [hbm4b:s4+s3], $0x68, $0x38;
	[tilespmem:$0x6900] =	vst v63  }
0x9: {  	_ =	swait.ge [sflag:s5], $0x68  }
0xa: {  	s6 =	simm.s32 $0x68;
	s16 =	sadd.s32 $0x68, s18;
	[sflag:s5] =	ssyncset.done $0x0  }
0xb: {  	s7 =	simm.s32 $0x100;
	s8 =	sshrl.u32 s16, $0x3;
	[sflag:s5] =	ssyncadd.s32 $0xFFFFFF98  }
0xc: {  	[tilespmem:s7], [sflag:$0x1] =	stream.indirect.gather [hbm4b:s2+s6], $0x80, s3, s6, $0xb8;
	[tilespmem:$0x6900] =	vst v63  }
0xd: {  	s9 =	simm.s32 $0x80;
	s8 =	sadd.s32 s19, s8  }
0xe: {  	[tilespmem:s9], [sflag:$0x5] =	stream.linear.gather [hbm4b:s8+s3], $0x68, $0x38;
	[tilespmem:$0x6900] =	vst v63  }
0xf: {  	_ =	swait.ge [sflag:s5], $0x68  }
0x10: {  	[sflag:s5] =	ssyncset.done $0x0  }
0x11: {  	s10 =	simm.s32 $0x3500;
	s11 =	simm.s32 $0x1;
	[sflag:s5] =	ssyncadd.s32 $0xFFFFFF98  }
0x12: {  	[tilespmem:s10], [sflag:$0x2] =	stream.indirect.gather [hbm4b:s2+s6], $0x80, s9, s6, $0xb8;
	[tilespmem:$0x6900] =	vst v63  }
0x13: {  	s12 =	smul.u32 $0x1A00, s12;
	_ =	swait.ge [sflag:s11], $0x3400  }
0x14: {  	s21 =	sadd.s32 $0x2400, s13;
	[sflag:s11] =	ssyncset.done $0x0  }
0x15: {  	s13 =	simm.s32 $0x3;
	s12 =	sadd.s32 s21, s12;
	[sflag:s11] =	ssyncadd.s32 $0xFFFFCC00  }
0x16: {  	[hbm4b:s12+s3] =	stream.linear.scatter [tilespmem:s7], [sflag:$0x3], $0x3400, $0x38;
	[tilespmem:$0x6900] =	vst v63  }
0x17: {  	s22 =	sadd.s32 $0xD0, s18;
	_ =	swait.ge [sflag:s13], $0x3400  }
0x18: {  	s14 =	sshrl.u32 s22, $0x3;
	[sflag:s13] =	ssyncset.done $0x0  }
0x19: {  	s14 =	sadd.s32 s19, s14;
	[sflag:s13] =	ssyncadd.s32 $0xFFFFCC00  }
0x1a: {  	[tilespmem:s3], [sflag:$0x5] =	stream.linear.gather [hbm4b:s14+s3], $0x68, $0x38;
	[tilespmem:$0x6900] =	vst v63  }
0x1b: {  	_ =	swait.ge [sflag:s5], $0x68  }
0x1c: {  	[sflag:s5] =	ssyncset.done $0x0  }
0x1d: {  	s15 =	simm.s32 $0x2;
	[sflag:s5] =	ssyncadd.s32 $0xFFFFFF98  }
0x1e: {  	[tilespmem:s7], [sflag:$0x1] =	stream.indirect.gather [hbm4b:s2+s6], $0x80, s3, s6, $0xb8;
	[tilespmem:$0x6900] =	vst v63  }
0x1f: {  	_ =	swait.ge [sflag:s15], $0x3400  }
0x20: {  	s16 =	sshll.u32 s16, $0x4;
	[sflag:s15] =	ssyncset.done $0x0  }
0x21: {  	s17 =	sadd.s32 s21, s16;
	s16 =	simm.s32 $0x4;
	[sflag:s15] =	ssyncadd.s32 $0xFFFFCC00  }
0x22: {  	[hbm4b:s17+s3] =	stream.linear.scatter [tilespmem:s10], [sflag:$0x4], $0x3400, $0x38;
	[tilespmem:$0x6900] =	vst v63  }
0x23: {  	s23 =	sadd.s32 $0x138, s18;
	_ =	swait.ge [sflag:s16], $0x3400  }
0x24: {  	s18 =	sshrl.u32 s23, $0x3;
	[sflag:s16] =	ssyncset.done $0x0  }
0x25: {  	s18 =	sadd.s32 s19, s18;
	[sflag:s16] =	ssyncadd.s32 $0xFFFFCC00  }
0x26: {  	[tilespmem:s9], [sflag:$0x5] =	stream.linear.gather [hbm4b:s18+s3], $0x68, $0x38;
	[tilespmem:$0x6900] =	vst v63  }
0x27: {  	_ =	swait.ge [sflag:s5], $0x68  }
0x28: {  	[sflag:s5] =	ssyncset.done $0x0  }
0x29: {  	[sflag:s5] =	ssyncadd.s32 $0xFFFFFF98  }
0x2a: {  	[tilespmem:s10], [sflag:$0x2] =	stream.indirect.gather [hbm4b:s2+s6], $0x80, s9, s6, $0xb8;
	[tilespmem:$0x6900] =	vst v63  }
0x2b: {  	s30 =	ssub.s32 $0x2, s20;
	_ =	swait.ge [sflag:s11], $0x3400  }
0x2c: {  	s31 =	sshrl.u32 s30, $0x1;
	s28 =	sshll.u32 s22, $0x4;
	[sflag:s11] =	ssyncset.done $0x0  }
0x2d: {  	s29 =	sshll.u32 s23, $0x4;
	s19 =	sadd.s32 s21, s28;
	[sflag:s11] =	ssyncadd.s32 $0xFFFFCC00  }
0x2e: {  	[hbm4b:s19+s3] =	stream.linear.scatter [tilespmem:s7], [sflag:$0x3], $0x3400, $0x38;
	[tilespmem:$0x6900] =	vst v63  }
0x2f: {  	s20 =	sadd.s32 s21, s29;
	s21 =	ssub.s32 s30, s31;
	_ =	swait.ge [sflag:s15], $0x3400  }
0x30: {  	s21 =	smax.u32 s21, $0x1;
	[sflag:s15] =	ssyncset.done $0x0  }
0x31: {  	p0 =	sne.s32 s21, $0x1;
	[sflag:s15] =	ssyncadd.s32 $0xFFFFCC00  }
0x32: {  	[hbm4b:s20+s3] =	stream.linear.scatter [tilespmem:s10], [sflag:$0x4], $0x3400, $0x38;
	[tilespmem:$0x6900] =	vst v63  }
.Ltmp0:
0x33: {  	_ =	swait.ge [sflag:s13], $0x3400;
	(pc) =	sbr.rel @!p0 .LBB2_2-.Ltmp0, $4  }
0x34: {  	[sflag:s13] =	ssyncset.done $0x0  }
0x35: {  	[sflag:s13] =	ssyncadd.s32 $0xFFFFCC00  }
0x36: {  	_ =	swait.ge [sflag:s16], $0x3400  }
0x37: {  	s21 =	sadd.s32 $0xFFFFFFFF, s21;
	[sflag:s16] =	ssyncset.done $0x0  }
.LBB2_1:
0x38: {  	p0 =	sne.s32 s21, $0x1;
	s21 =	sadd.s32 $0xFFFFFFFF, s21;
	[sflag:s16] =	ssyncadd.s32 $0xFFFFCC00  }
0x39: {  	[tilespmem:s3], [sflag:$0x5] =	stream.linear.gather [hbm4b:s4+s3], $0x68, $0x38;
	[tilespmem:$0x6900] =	vst v63  }
0x3a: {  	_ =	swait.ge [sflag:s5], $0x68  }
0x3b: {  	[sflag:s5] =	ssyncset.done $0x0  }
0x3c: {  	[sflag:s5] =	ssyncadd.s32 $0xFFFFFF98  }
0x3d: {  	[tilespmem:s7], [sflag:$0x1] =	stream.indirect.gather [hbm4b:s2+s6], $0x80, s3, s6, $0xb8;
	[tilespmem:$0x6900] =	vst v63  }
0x3e: {  	_ = 	snop  }
0x3f: {  	[tilespmem:s9], [sflag:$0x5] =	stream.linear.gather [hbm4b:s8+s3], $0x68, $0x38;
	[tilespmem:$0x6900] =	vst v63  }
0x40: {  	_ =	swait.ge [sflag:s5], $0x68  }
0x41: {  	[sflag:s5] =	ssyncset.done $0x0  }
0x42: {  	[sflag:s5] =	ssyncadd.s32 $0xFFFFFF98  }
0x43: {  	[tilespmem:s10], [sflag:$0x2] =	stream.indirect.gather [hbm4b:s2+s6], $0x80, s9, s6, $0xb8;
	[tilespmem:$0x6900] =	vst v63  }
0x44: {  	_ =	swait.ge [sflag:s11], $0x3400  }
0x45: {  	[sflag:s11] =	ssyncset.done $0x0  }
0x46: {  	[sflag:s11] =	ssyncadd.s32 $0xFFFFCC00  }
0x47: {  	[hbm4b:s12+s3] =	stream.linear.scatter [tilespmem:s7], [sflag:$0x3], $0x3400, $0x38;
	[tilespmem:$0x6900] =	vst v63  }
0x48: {  	_ =	swait.ge [sflag:s13], $0x3400  }
0x49: {  	[sflag:s13] =	ssyncset.done $0x0  }
0x4a: {  	[sflag:s13] =	ssyncadd.s32 $0xFFFFCC00  }
0x4b: {  	[tilespmem:s3], [sflag:$0x5] =	stream.linear.gather [hbm4b:s14+s3], $0x68, $0x38;
	[tilespmem:$0x6900] =	vst v63  }
0x4c: {  	_ =	swait.ge [sflag:s5], $0x68  }
0x4d: {  	[sflag:s5] =	ssyncset.done $0x0  }
0x4e: {  	[sflag:s5] =	ssyncadd.s32 $0xFFFFFF98  }
0x4f: {  	[tilespmem:s7], [sflag:$0x1] =	stream.indirect.gather [hbm4b:s2+s6], $0x80, s3, s6, $0xb8;
	[tilespmem:$0x6900] =	vst v63  }
0x50: {  	_ =	swait.ge [sflag:s15], $0x3400  }
0x51: {  	[sflag:s15] =	ssyncset.done $0x0  }
0x52: {  	[sflag:s15] =	ssyncadd.s32 $0xFFFFCC00  }
0x53: {  	[hbm4b:s17+s3] =	stream.linear.scatter [tilespmem:s10], [sflag:$0x4], $0x3400, $0x38;
	[tilespmem:$0x6900] =	vst v63  }
0x54: {  	_ =	swait.ge [sflag:s16], $0x3400  }
0x55: {  	[sflag:s16] =	ssyncset.done $0x0  }
0x56: {  	[sflag:s16] =	ssyncadd.s32 $0xFFFFCC00  }
0x57: {  	[tilespmem:s9], [sflag:$0x5] =	stream.linear.gather [hbm4b:s18+s3], $0x68, $0x38;
	[tilespmem:$0x6900] =	vst v63  }
0x58: {  	_ =	swait.ge [sflag:s5], $0x68  }
0x59: {  	[sflag:s5] =	ssyncset.done $0x0  }
0x5a: {  	[sflag:s5] =	ssyncadd.s32 $0xFFFFFF98  }
0x5b: {  	[tilespmem:s10], [sflag:$0x2] =	stream.indirect.gather [hbm4b:s2+s6], $0x80, s9, s6, $0xb8;
	[tilespmem:$0x6900] =	vst v63  }
0x5c: {  	_ =	swait.ge [sflag:s11], $0x3400  }
0x5d: {  	[sflag:s11] =	ssyncset.done $0x0  }
0x5e: {  	[sflag:s11] =	ssyncadd.s32 $0xFFFFCC00  }
0x5f: {  	[hbm4b:s19+s3] =	stream.linear.scatter [tilespmem:s7], [sflag:$0x3], $0x3400, $0x38;
	[tilespmem:$0x6900] =	vst v63  }
0x60: {  	_ =	swait.ge [sflag:s15], $0x3400  }
0x61: {  	[sflag:s15] =	ssyncset.done $0x0  }
0x62: {  	[sflag:s15] =	ssyncadd.s32 $0xFFFFCC00  }
0x63: {  	[hbm4b:s20+s3] =	stream.linear.scatter [tilespmem:s10], [sflag:$0x4], $0x3400, $0x38;
	[tilespmem:$0x6900] =	vst v63  }
.Ltmp1:
0x64: {  	_ =	swait.ge [sflag:s13], $0x3400;
	(pc) =	sbr.rel @p0 .LBB2_1-.Ltmp1, $4  }
0x65: {  	[sflag:s13] =	ssyncset.done $0x0  }
0x66: {  	[sflag:s13] =	ssyncadd.s32 $0xFFFFCC00  }
0x67: {  	_ =	swait.ge [sflag:s16], $0x3400  }
0x68: {  	[sflag:s16] =	ssyncset.done $0x0  }
.LBB2_2:
0x69: {  	[sflag:s16] =	ssyncadd.s32 $0xFFFFCC00  }
0x6a: {  	_ =	sfence.sel $0x180000  }
0x6b: {  	[bflag:$0x0] =	sbarrier.arrive $0xFFFF  }
0x6c: {  	p0 =	sne.s32 s0, $0x0;
	_ =	strace $0x9000004A  }
0x6d: {  	s0 =	sadd.s32 @!p0 $0x100000, s1;
	[bflag:$0x2] =	sbarrier.arrive $0xFFFF  }
0x6e: {  	[sflag:s0] =	ssyncadd.tile.s32 @!p0 $0x1;
	_ =	shalt  }
.Lfunc_end2:
_tile_overlayer_lowered:
.L_overlay_start_2:
0x6f: {  	(tag) =	ssettag $0x2  }
0x70: {  	s0 =	rddreg [dreg:$0x0];
	s2 =	stileid.u32  }
0x71: {  	s1 =	rddreg [dreg:$0x1];
	p0 =	sne.s32 s2, $0x0  }
0x72: {  	s3 =	rddreg [dreg:$0x2];
	[bflag:$0x3] =	sbarrier.arrive $0xFFFF;
	s2 =	simm.s32 @!p0 $0x1C05  }
0x73: {  	[timem:s3], [sflag:s2] =	dma.local @!p0 [hbm:s0], s1  }
0x74: {  	s0 =	simm.s32 @!p0 $0x5  }
0x75: {  	_ =	swait.ge @!p0 [sflag:s0], s1  }
0x76: {  	s1 =	ssub.s32 @!p0 $0x0, s1;
	[sflag:s0] =	ssyncset.done @!p0 $0x0  }
0x77: {  	[sflag:s0] =	ssyncadd.s32 @!p0 s1  }
0x78: {  	[bflag:$0x3] =	sbarrier.arrive $0xFFFF  }
0x79: {  	_ =	shalt  }

// kernel: kernel.9.cloned.1.call-start
scs
__scs_entry_jumppad:
0x0: {  	(pc) =	sbr.rel $0x88, $3  }
0x1: {  	(tag) =	ssettag $0x0;
	lr =	simm.s32 $0x1  }
0x2: {  	[smem:$0x3F94] =	sst lr;
	_ =	strace $0xD0000000  }
0x3: {  	_ = 	snop  }
0x4: {  	_ = 	snop  }
0x5: {  	_ = 	snop  }
0x6: {  	_ = 	snop  }
0x7: {  	_ = 	snop  }
__scs_overlays_trampoline_lowered:
0x8: {  	[smem:$0x3FA3] =	sst s0  }
0x9: {  	[smem:$0x3FA4] =	sst s1  }
0xa: {  	[smem:$0x3FA5] =	sst s2  }
0xb: {  	[smem:$0x3FA6] =	sst s3  }
0xc: {  	[smem:$0x3FA7] =	sst s4  }
0xd: {  	[smem:$0x3FA8] =	sst s5  }
0xe: {  	[smem:$0x3FA9] =	sst s6  }
0xf: {  	[smem:$0x3FAA] =	sst s7  }
0x10: {  	[smem:$0x3FAB] =	sst s8  }
0x11: {  	[smem:$0x3FAC] =	sst s9;
	s0 =	simm.s32 @!p0 $0x0  }
0x12: {  	s1 =	sld [smem:$0x3F92];
	s0 =	simm.s32 @p0 $0x1  }
0x13: {  	[smem:$0x3FAD] =	sst s0;
	s0 =	simm.s32 @!p1 $0x0  }
0x14: {  	s2 =	sld [smem:$0x3F91];
	s0 =	simm.s32 @p1 $0x1  }
0x15: {  	[smem:$0x3FAE] =	sst s0;
	s0 =	simm.s32 @!p2 $0x0  }
0x16: {  	s3 =	sld [smem:$0x3FDB];
	s0 =	simm.s32 @p2 $0x1  }
0x17: {  	s4 =	simm.s32 $0x1BF5;
	[smem:$0x3FB0] =	sst s0  }
0x18: {  	s0 =	sld [smem:$0x3F93];
	_ =	swait.ge [sflag:s4], $0x0  }
0x19: {  	s7 =	sld [smem:$0x3F94]  }
0x1a: {  	s8 =	sadd.s32 $0xFFFFE003, lr  }
0x1b: {  	s9 =	sadd.s32 $0xFFFFFEF7, lr;
	s5 =	simm.s32 $0xFFFFFFFF;
	p2 =	slt.u32 s8, $0xFFFFF086  }
0x1c: {  	p1 =	slt.u32 s9, $0xF7A;
	s5 =	simm.s32 @!p2 $0x0  }
0x1d: {  	s5 =	simm.s32 @p1 $0x1;
	p0 =	seq.s32 s7, s2  }
0x1e: {  	s7 =	smul.u32 @!p0 $0xF7A, s2;
	p2 =	seq.s32 @!p0 s5, $0x0  }
0x1f: {  	s9 =	smul.u32 $0xF7A, s1;
	s8 =	simm.s32 @!p0 $0x1BF5;
	p2 =	por !p2, p0  }
0x20: {  	[sflag:s8] =	ssyncset.s32 @!p0 $0xFFFFF086;
	s6 =	sadd.s32 @!p0 s3, s7;
	s7 =	simm.s32 @!p0 $0x108  }
0x21: {  	s3 =	sadd.s32 s3, s9;
	s6 =	sadd.s32 @!p0 $0x88, s6;
	s7 =	simm.s32 @p2 $0x1082  }
0x22: {  	[simem:s7], [sflag:s8] =	dma.local @!p0 [hbm:s6], $0xF7A  }
0x23: {  	s9 =	sor.u32 $0xD0000000, s2;
	s6 =	simm.s32 $0x108;
	_ =	swait.ge @!p0 [sflag:s8], $0x0  }
0x24: {  	s3 =	sadd.s32 $0x88, s3;
	s6 =	simm.s32 @!p1 $0x1082;
	[sflag:s4] =	ssyncset.s32 $0xFFFFF086  }
0x25: {  	[simem:s6], [sflag:s4] =	dma.local [hbm:s3], $0xF7A  }
0x26: {  	[smem:$0x3F94] =	sst s1;
	(tag) =	ssettag s2;
	_ =	strace s9  }
0x27: {  	s1 =	sld [smem:$0x3FA4]  }
0x28: {  	s2 =	sld [smem:$0x3FA5]  }
0x29: {  	s4 =	sld [smem:$0x3FA7]  }
0x2a: {  	p0 =	seq.s32 s5, $0x0;
	s5 =	sld [smem:$0x3FA8]  }
0x2b: {  	s6 =	sld [smem:$0x3FA9]  }
0x2c: {  	s7 =	sld [smem:$0x3FAA]  }
0x2d: {  	s3 =	simm.s32 $0x108;
	s8 =	sld [smem:$0x3FAB]  }
0x2e: {  	s3 =	simm.s32 @!p0 $0x1082;
	s9 =	sld [smem:$0x3FAC]  }
0x2f: {  	lr =	sadd.s32 s0, s3;
	s0 =	sld [smem:$0x3FA3]  }
0x30: {  	s3 =	sld [smem:$0x3FA6]  }
0x31: {  	[smem:$0x3FAF] =	sst s10  }
0x32: {  	s10 =	sld [smem:$0x3FAD];
	_ =	sdelay $0x3  }
0x33: {  	p0 =	seq.s32 s10, $0x1;
	s10 =	sld [smem:$0x3FAF];
	_ =	sdelay $0x3  }
0x34: {  	[smem:$0x3FAF] =	sst s10  }
0x35: {  	s10 =	sld [smem:$0x3FAE];
	_ =	sdelay $0x3  }
0x36: {  	p1 =	seq.s32 s10, $0x1;
	s10 =	sld [smem:$0x3FAF];
	_ =	sdelay $0x3  }
0x37: {  	[smem:$0x3FAF] =	sst s10  }
0x38: {  	s10 =	sld [smem:$0x3FB0]  }
0x39: {  	_ = 	snop;
	(pc) =	sbr.ind lr, $3  }
0x3a: {  	_ = 	snop  }
0x3b: {  	_ = 	snop  }
0x3c: {  	p2 =	seq.s32 s10, $0x1;
	s10 =	sld [smem:$0x3FAF]  }
0x3d: {  	_ =	shalt  }
0x3e: {  	_ =	shalt  }
0x3f: {  	_ =	shalt  }
0x40: {  	_ =	shalt  }
0x41: {  	_ =	shalt  }
0x42: {  	_ =	shalt  }
0x43: {  	_ =	shalt  }
0x44: {  	_ =	shalt  }
0x45: {  	_ =	shalt  }
0x46: {  	_ =	shalt  }
0x47: {  	_ =	shalt  }
0x48: {  	_ =	shalt  }
0x49: {  	_ =	shalt  }
0x4a: {  	_ =	shalt  }
0x4b: {  	_ =	shalt  }
0x4c: {  	_ =	shalt  }
0x4d: {  	_ =	shalt  }
0x4e: {  	_ =	shalt  }
0x4f: {  	_ =	shalt  }
0x50: {  	_ =	shalt  }
0x51: {  	_ =	shalt  }
0x52: {  	_ =	shalt  }
0x53: {  	_ =	shalt  }
0x54: {  	_ =	shalt  }
0x55: {  	_ =	shalt  }
0x56: {  	_ =	shalt  }
0x57: {  	_ =	shalt  }
0x58: {  	_ =	shalt  }
0x59: {  	_ =	shalt  }
0x5a: {  	_ =	shalt  }
0x5b: {  	_ =	shalt  }
0x5c: {  	_ =	shalt  }
0x5d: {  	_ =	shalt  }
0x5e: {  	_ =	shalt  }
0x5f: {  	_ =	shalt  }
0x60: {  	_ =	shalt  }
0x61: {  	_ =	shalt  }
0x62: {  	_ =	shalt  }
0x63: {  	_ =	shalt  }
0x64: {  	_ =	shalt  }
0x65: {  	_ =	shalt  }
0x66: {  	_ =	shalt  }
0x67: {  	_ =	shalt  }
0x68: {  	_ =	shalt  }
0x69: {  	_ =	shalt  }
0x6a: {  	_ =	shalt  }
0x6b: {  	_ =	shalt  }
0x6c: {  	_ =	shalt  }
0x6d: {  	_ =	shalt  }
0x6e: {  	_ =	shalt  }
0x6f: {  	_ =	shalt  }
0x70: {  	_ =	shalt  }
0x71: {  	_ =	shalt  }
0x72: {  	_ =	shalt  }
0x73: {  	_ =	shalt  }
0x74: {  	_ =	shalt  }
0x75: {  	_ =	shalt  }
0x76: {  	_ =	shalt  }
0x77: {  	_ =	shalt  }
0x78: {  	_ =	shalt  }
0x79: {  	_ =	shalt  }
0x7a: {  	_ =	shalt  }
0x7b: {  	_ =	shalt  }
0x7c: {  	_ =	shalt  }
0x7d: {  	_ =	shalt  }
0x7e: {  	_ =	shalt  }
0x7f: {  	_ =	shalt  }
0x80: {  	_ =	shalt  }
0x81: {  	_ =	shalt  }
0x82: {  	_ =	shalt  }
0x83: {  	_ =	shalt  }
0x84: {  	_ =	shalt  }
0x85: {  	_ =	shalt  }
0x86: {  	_ =	shalt  }
0x87: {  	_ =	shalt  }
.Lfunc_end0:
.L_simem_size_0:
called_computation.1_lowered:
.L_overlay_start_0:
0x88: {  	s2 =	sld [smem:$0x3FD9]  }
0x89: {  	s3 =	sld [smem:$0x3FFE];
	_ =	sdelay $0x1  }
0x8a: {  	s1 =	srdreg.scid  }
0x8b: {  	s0 =	sand.u32 $0x1, s1  }
0x8c: {  	s17 =	sshll.u32 s0, $0xA;
	s2 =	sadd.s32 s3, s2  }
0x8d: {  	s2 =	sadd.s32 s2, s17  }
0x8e: {  	[smem:$0x3FBB] =	sst s2  }
0x8f: {  	_ = 	snop  }
0x90: {  	s2 =	sld [smem:$0x3FC7]  }
0x91: {  	s18 =	sld [smem:$0x3FD0];
	(tm) =	ssettm $0x1  }
0x92: {  	s4 =	sld [smem:$0x3FFB];
	_ =	sdelay $0x3  }
0x93: {  	_ =	strace s4  }
0x94: {  	s4 =	sld [smem:$0x3FFC];
	_ =	sdelay $0x3  }
0x95: {  	_ =	strace s4  }
0x96: {  	s4 =	sld [smem:$0x3FFD];
	_ =	sdelay $0x3  }
0x97: {  	_ =	strace s4  }
0x98: {  	_ =	strace $0x8FFFFFFF  }
0x99: {  	s19 =	sld [smem:$0x3FDB];
	_ =	sdelay $0x1  }
0x9a: {  	s5 =	simm.s32 $_scs_section_size  }
0x9b: {  	s6 =	simm.s32 $_size__tile_overlayer_lowered;
	s7 =	simm.s32 $_tile_overlayer_lowered  }
0x9c: {  	s22 =	simm.s32 $0x1BFF;
	s21 =	sshll.u32 s7, $0x1;
	s4 =	sadd.s32 s5, s19  }
0x9d: {  	s8 =	simm.s32 $0x0;
	s20 =	sshll.u32 s6, $0x1;
	s6 =	sadd.s32 s21, s4  }
0x9e: {  	[timem:s8], [sflag:s22] =	dma.local [hbm:s6], s20  }
0x9f: {  	_ =	swait.ge [sflag:s22], s20  }
0xa0: {  	s5 =	ssub.s32 $0x0, s20;
	[sflag:s22] =	ssyncset.done $0x0  }
0xa1: {  	[sflag:s22] =	ssyncadd.s32 s5;
	_ =	sdelay $0x1  }
0xa2: {  	s23 =	simm.s32 $0x1B8B  }
0xa3: {  	_ =	swait.ge [sflag:s23], $0x1  }
0xa4: {  	[sflag:s23] =	ssyncset.done $0x0  }
0xa5: {  	s25 =	simm.s32 $0x1B8E;
	s24 =	sld [smem:$0x3FFE];
	[sflag:s23] =	ssyncadd.s32 $0xFFFFFFFF  }
0xa6: {  	s26 =	simm.s32 $execute0_lowered;
	[smem:$0x3FD2] =	sst s25  }
0xa7: {  	s6 =	sshll.u32 s26, $0x1;
	_ =	strace $0x80000046;
	[dreg:$0x1] =	wrdreg $0xFFFFFFFF  }
0xa8: {  	s28 =	simm.s32 $_size_execute0_lowered;
	s4 =	sadd.s32 s4, s6;
	[dreg:$0x0] =	wrdreg $0x0  }
0xa9: {  	s6 =	sshll.u32 s28, $0x1;
	[dreg:$0x2] =	wrdreg s4  }
0xaa: {  	[dreg:$0x3] =	wrdreg s6  }
0xab: {  	[dreg:$0x4] =	wrdreg $0xC0  }
0xac: {  	_ =	task [dreg:s8], $0x5FFFF  }
0xad: {  	[dreg:$0x1] =	wrdreg $0xFFFFFFFF  }
0xae: {  	[dreg:$0x0] =	wrdreg $0x60  }
0xaf: {  	[dreg:$0x2] =	wrdreg s2  }
0xb0: {  	[dreg:$0x3] =	wrdreg s24  }
0xb1: {  	[dreg:$0x4] =	wrdreg s18  }
0xb2: {  	[dreg:$0x5] =	wrdreg $0xA  }
0xb3: {  	_ =	task.clear_ibuf [dreg:s8], $0x6FFFF;
	_ =	strace $0x90000046  }
0xb4: {  	s29 =	simm.s32 $0xA;
	_ =	strace $0x80000048  }
0xb5: {  	_ =	swait.ge [sflag:s29], $0x1  }
0xb6: {  	[sflag:s29] =	ssyncadd.s32 $0xFFFFFFFF  }
0xb7: {  	_ =	strace $0x90000048  }
0xb8: {  	_ =	sfence  }
0xb9: {  	s30 =	sld [smem:$0x0];
	_ =	sdelay $0x2  }
0xba: {  	s31 =	sshll.u32 s1, $0xD;
	s1 =	sshrl.u32 s1, $0x2  }
0xbb: {  	s3 =	sand.u32 $0x4000, s31;
	s1 =	sadd.s32 s1, s30  }
0xbc: {  	s0 =	sor.u32 s3, s0;
	s1 =	sshll.u32 s1, $0x11  }
0xbd: {  	s0 =	sor.u32 s1, s0  }
0xbe: {  	s0 =	sadd.s32 $0x8F2B, s0  }
0xbf: {  	[sflag:s0] =	ssyncadd.remote.s32 $0x1  }
0xc0: {  	_ =	sfence.sel $0xFFFF  }
0xc1: {  	[dreg:$0x0] =	wrdreg $0xFFFFFFFF;
	(pc) =	sbr.abs _section_cstart, $3  }
0xc2: {  	[dreg:$0x1] =	wrdreg $0xFFFFFFFF  }
0xc3: {  	_ =	task.clear_ibuf [dreg:s8], $0x2FFFF;
	_ =	strace $0x9FFFFFFF  }
0xc4: {  	(tm) =	ssettm $0x7FFFFFFF  }
0xc5: {  	_ =	shalt  }
tec
execute0_lowered:
.L_overlay_start_1:
0x0: {  	(tag) =	ssettag $0x1  }
0x1: {  	s1 =	srdreg.scid;
	s0 =	stileid.u32  }
0x2: {  	s20 =	sand.u32 $0x1, s1;
	s25 =	sshll.u32 s0, $0x1  }
0x3: {  	s2 =	rddreg [dreg:$0x0];
	s12 =	sor.u32 s20, s25  }
0x4: {  	s4 =	rddreg [dreg:$0x1];
	s18 =	smul.u32 $0x1A0, s12  }
0x5: {  	s21 =	rddreg [dreg:$0x2];
	s3 =	simm.s32 $0x0;
	s5 =	simm.s32 $0x5  }
0x6: {  	[smem:$0x7FF] =	sst s3;
	s19 =	sadd.s32 $0x1400, s4;
	s26 =	sshrl.u32 s18, $0x3  }
0x7: {  	s1 =	rddreg [dreg:$0x3];
	_ =	strace $0x80000047;
	s4 =	sadd.s32 s19, s26  }
0x8: {  	[tilespmem:s3], [sflag:$0x5] =	stream.linear.gather [hbm4b:s4+s3], $0x68, $0x38;
	[tilespmem:$0x6900] =	vst v63  }
0x9: {  	_ =	swait.ge [sflag:s5], $0x68  }
0xa: {  	s6 =	simm.s32 $0x68;
	s16 =	sadd.s32 $0x68, s18;
	[sflag:s5] =	ssyncset.done $0x0  }
0xb: {  	s7 =	simm.s32 $0x100;
	s8 =	sshrl.u32 s16, $0x3;
	[sflag:s5] =	ssyncadd.s32 $0xFFFFFF98  }
0xc: {  	[tilespmem:s7], [sflag:$0x1] =	stream.indirect.gather [hbm4b:s2+s6], $0x80, s3, s6, $0xb8;
	[tilespmem:$0x6900] =	vst v63  }
0xd: {  	s9 =	simm.s32 $0x80;
	s8 =	sadd.s32 s19, s8  }
0xe: {  	[tilespmem:s9], [sflag:$0x5] =	stream.linear.gather [hbm4b:s8+s3], $0x68, $0x38;
	[tilespmem:$0x6900] =	vst v63  }
0xf: {  	_ =	swait.ge [sflag:s5], $0x68  }
0x10: {  	[sflag:s5] =	ssyncset.done $0x0  }
0x11: {  	s10 =	simm.s32 $0x3500;
	s11 =	simm.s32 $0x1;
	[sflag:s5] =	ssyncadd.s32 $0xFFFFFF98  }
0x12: {  	[tilespmem:s10], [sflag:$0x2] =	stream.indirect.gather [hbm4b:s2+s6], $0x80, s9, s6, $0xb8;
	[tilespmem:$0x6900] =	vst v63  }
0x13: {  	s12 =	smul.u32 $0x1A00, s12;
	_ =	swait.ge [sflag:s11], $0x3400  }
0x14: {  	[sflag:s11] =	ssyncset.done $0x0  }
0x15: {  	s13 =	simm.s32 $0x3;
	s12 =	sadd.s32 s21, s12;
	[sflag:s11] =	ssyncadd.s32 $0xFFFFCC00  }
0x16: {  	[hbm4b:s12+s3] =	stream.linear.scatter [tilespmem:s7], [sflag:$0x3], $0x3400, $0x38;
	[tilespmem:$0x6900] =	vst v63  }
0x17: {  	s22 =	sadd.s32 $0xD0, s18;
	_ =	swait.ge [sflag:s13], $0x3400  }
0x18: {  	s14 =	sshrl.u32 s22, $0x3;
	[sflag:s13] =	ssyncset.done $0x0  }
0x19: {  	s14 =	sadd.s32 s19, s14;
	[sflag:s13] =	ssyncadd.s32 $0xFFFFCC00  }
0x1a: {  	[tilespmem:s3], [sflag:$0x5] =	stream.linear.gather [hbm4b:s14+s3], $0x68, $0x38;
	[tilespmem:$0x6900] =	vst v63  }
0x1b: {  	_ =	swait.ge [sflag:s5], $0x68  }
0x1c: {  	[sflag:s5] =	ssyncset.done $0x0  }
0x1d: {  	s15 =	simm.s32 $0x2;
	[sflag:s5] =	ssyncadd.s32 $0xFFFFFF98  }
0x1e: {  	[tilespmem:s7], [sflag:$0x1] =	stream.indirect.gather [hbm4b:s2+s6], $0x80, s3, s6, $0xb8;
	[tilespmem:$0x6900] =	vst v63  }
0x1f: {  	_ =	swait.ge [sflag:s15], $0x3400  }
0x20: {  	s16 =	sshll.u32 s16, $0x4;
	[sflag:s15] =	ssyncset.done $0x0  }
0x21: {  	s17 =	sadd.s32 s21, s16;
	s16 =	simm.s32 $0x4;
	[sflag:s15] =	ssyncadd.s32 $0xFFFFCC00  }
0x22: {  	[hbm4b:s17+s3] =	stream.linear.scatter [tilespmem:s10], [sflag:$0x4], $0x3400, $0x38;
	[tilespmem:$0x6900] =	vst v63  }
0x23: {  	s23 =	sadd.s32 $0x138, s18;
	_ =	swait.ge [sflag:s16], $0x3400  }
0x24: {  	s18 =	sshrl.u32 s23, $0x3;
	[sflag:s16] =	ssyncset.done $0x0  }
0x25: {  	s18 =	sadd.s32 s19, s18;
	[sflag:s16] =	ssyncadd.s32 $0xFFFFCC00  }
0x26: {  	[tilespmem:s9], [sflag:$0x5] =	stream.linear.gather [hbm4b:s18+s3], $0x68, $0x38;
	[tilespmem:$0x6900] =	vst v63  }
0x27: {  	_ =	swait.ge [sflag:s5], $0x68  }
0x28: {  	[sflag:s5] =	ssyncset.done $0x0  }
0x29: {  	[sflag:s5] =	ssyncadd.s32 $0xFFFFFF98  }
0x2a: {  	[tilespmem:s10], [sflag:$0x2] =	stream.indirect.gather [hbm4b:s2+s6], $0x80, s9, s6, $0xb8;
	[tilespmem:$0x6900] =	vst v63  }
0x2b: {  	s30 =	ssub.s32 $0x2, s20;
	_ =	swait.ge [sflag:s11], $0x3400  }
0x2c: {  	s31 =	sshrl.u32 s30, $0x1;
	s28 =	sshll.u32 s22, $0x4;
	[sflag:s11] =	ssyncset.done $0x0  }
0x2d: {  	s29 =	sshll.u32 s23, $0x4;
	s19 =	sadd.s32 s21, s28;
	[sflag:s11] =	ssyncadd.s32 $0xFFFFCC00  }
0x2e: {  	[hbm4b:s19+s3] =	stream.linear.scatter [tilespmem:s7], [sflag:$0x3], $0x3400, $0x38;
	[tilespmem:$0x6900] =	vst v63  }
0x2f: {  	s20 =	sadd.s32 s21, s29;
	s21 =	ssub.s32 s30, s31;
	_ =	swait.ge [sflag:s15], $0x3400  }
0x30: {  	s21 =	smax.u32 s21, $0x1;
	[sflag:s15] =	ssyncset.done $0x0  }
0x31: {  	p0 =	sne.s32 s21, $0x1;
	[sflag:s15] =	ssyncadd.s32 $0xFFFFCC00  }
0x32: {  	[hbm4b:s20+s3] =	stream.linear.scatter [tilespmem:s10], [sflag:$0x4], $0x3400, $0x38;
	[tilespmem:$0x6900] =	vst v63  }
.Ltmp0:
0x33: {  	_ =	swait.ge [sflag:s13], $0x3400;
	(pc) =	sbr.rel @!p0 .LBB2_2-.Ltmp0, $4  }
0x34: {  	[sflag:s13] =	ssyncset.done $0x0  }
0x35: {  	[sflag:s13] =	ssyncadd.s32 $0xFFFFCC00  }
0x36: {  	_ =	swait.ge [sflag:s16], $0x3400  }
0x37: {  	s21 =	sadd.s32 $0xFFFFFFFF, s21;
	[sflag:s16] =	ssyncset.done $0x0  }
.LBB2_1:
0x38: {  	p0 =	sne.s32 s21, $0x1;
	s21 =	sadd.s32 $0xFFFFFFFF, s21;
	[sflag:s16] =	ssyncadd.s32 $0xFFFFCC00  }
0x39: {  	[tilespmem:s3], [sflag:$0x5] =	stream.linear.gather [hbm4b:s4+s3], $0x68, $0x38;
	[tilespmem:$0x6900] =	vst v63  }
0x3a: {  	_ =	swait.ge [sflag:s5], $0x68  }
0x3b: {  	[sflag:s5] =	ssyncset.done $0x0  }
0x3c: {  	[sflag:s5] =	ssyncadd.s32 $0xFFFFFF98  }
0x3d: {  	[tilespmem:s7], [sflag:$0x1] =	stream.indirect.gather [hbm4b:s2+s6], $0x80, s3, s6, $0xb8;
	[tilespmem:$0x6900] =	vst v63  }
0x3e: {  	_ = 	snop  }
0x3f: {  	[tilespmem:s9], [sflag:$0x5] =	stream.linear.gather [hbm4b:s8+s3], $0x68, $0x38;
	[tilespmem:$0x6900] =	vst v63  }
0x40: {  	_ =	swait.ge [sflag:s5], $0x68  }
0x41: {  	[sflag:s5] =	ssyncset.done $0x0  }
0x42: {  	[sflag:s5] =	ssyncadd.s32 $0xFFFFFF98  }
0x43: {  	[tilespmem:s10], [sflag:$0x2] =	stream.indirect.gather [hbm4b:s2+s6], $0x80, s9, s6, $0xb8;
	[tilespmem:$0x6900] =	vst v63  }
0x44: {  	_ =	swait.ge [sflag:s11], $0x3400  }
0x45: {  	[sflag:s11] =	ssyncset.done $0x0  }
0x46: {  	[sflag:s11] =	ssyncadd.s32 $0xFFFFCC00  }
0x47: {  	[hbm4b:s12+s3] =	stream.linear.scatter [tilespmem:s7], [sflag:$0x3], $0x3400, $0x38;
	[tilespmem:$0x6900] =	vst v63  }
0x48: {  	_ =	swait.ge [sflag:s13], $0x3400  }
0x49: {  	[sflag:s13] =	ssyncset.done $0x0  }
0x4a: {  	[sflag:s13] =	ssyncadd.s32 $0xFFFFCC00  }
0x4b: {  	[tilespmem:s3], [sflag:$0x5] =	stream.linear.gather [hbm4b:s14+s3], $0x68, $0x38;
	[tilespmem:$0x6900] =	vst v63  }
0x4c: {  	_ =	swait.ge [sflag:s5], $0x68  }
0x4d: {  	[sflag:s5] =	ssyncset.done $0x0  }
0x4e: {  	[sflag:s5] =	ssyncadd.s32 $0xFFFFFF98  }
0x4f: {  	[tilespmem:s7], [sflag:$0x1] =	stream.indirect.gather [hbm4b:s2+s6], $0x80, s3, s6, $0xb8;
	[tilespmem:$0x6900] =	vst v63  }
0x50: {  	_ =	swait.ge [sflag:s15], $0x3400  }
0x51: {  	[sflag:s15] =	ssyncset.done $0x0  }
0x52: {  	[sflag:s15] =	ssyncadd.s32 $0xFFFFCC00  }
0x53: {  	[hbm4b:s17+s3] =	stream.linear.scatter [tilespmem:s10], [sflag:$0x4], $0x3400, $0x38;
	[tilespmem:$0x6900] =	vst v63  }
0x54: {  	_ =	swait.ge [sflag:s16], $0x3400  }
0x55: {  	[sflag:s16] =	ssyncset.done $0x0  }
0x56: {  	[sflag:s16] =	ssyncadd.s32 $0xFFFFCC00  }
0x57: {  	[tilespmem:s9], [sflag:$0x5] =	stream.linear.gather [hbm4b:s18+s3], $0x68, $0x38;
	[tilespmem:$0x6900] =	vst v63  }
0x58: {  	_ =	swait.ge [sflag:s5], $0x68  }
0x59: {  	[sflag:s5] =	ssyncset.done $0x0  }
0x5a: {  	[sflag:s5] =	ssyncadd.s32 $0xFFFFFF98  }
0x5b: {  	[tilespmem:s10], [sflag:$0x2] =	stream.indirect.gather [hbm4b:s2+s6], $0x80, s9, s6, $0xb8;
	[tilespmem:$0x6900] =	vst v63  }
0x5c: {  	_ =	swait.ge [sflag:s11], $0x3400  }
0x5d: {  	[sflag:s11] =	ssyncset.done $0x0  }
0x5e: {  	[sflag:s11] =	ssyncadd.s32 $0xFFFFCC00  }
0x5f: {  	[hbm4b:s19+s3] =	stream.linear.scatter [tilespmem:s7], [sflag:$0x3], $0x3400, $0x38;
	[tilespmem:$0x6900] =	vst v63  }
0x60: {  	_ =	swait.ge [sflag:s15], $0x3400  }
0x61: {  	[sflag:s15] =	ssyncset.done $0x0  }
0x62: {  	[sflag:s15] =	ssyncadd.s32 $0xFFFFCC00  }
0x63: {  	[hbm4b:s20+s3] =	stream.linear.scatter [tilespmem:s10], [sflag:$0x4], $0x3400, $0x38;
	[tilespmem:$0x6900] =	vst v63  }
.Ltmp1:
0x64: {  	_ =	swait.ge [sflag:s13], $0x3400;
	(pc) =	sbr.rel @p0 .LBB2_1-.Ltmp1, $4  }
0x65: {  	[sflag:s13] =	ssyncset.done $0x0  }
0x66: {  	[sflag:s13] =	ssyncadd.s32 $0xFFFFCC00  }
0x67: {  	_ =	swait.ge [sflag:s16], $0x3400  }
0x68: {  	[sflag:s16] =	ssyncset.done $0x0  }
.LBB2_2:
0x69: {  	[sflag:s16] =	ssyncadd.s32 $0xFFFFCC00  }
0x6a: {  	_ =	sfence.sel $0x180000  }
0x6b: {  	[bflag:$0x0] =	sbarrier.arrive $0xFFFF  }
0x6c: {  	p0 =	sne.s32 s0, $0x0;
	_ =	strace $0x90000047  }
0x6d: {  	s0 =	sadd.s32 @!p0 $0x100000, s1;
	[bflag:$0x2] =	sbarrier.arrive $0xFFFF  }
0x6e: {  	[sflag:s0] =	ssyncadd.tile.s32 @!p0 $0x1;
	_ =	shalt  }
.Lfunc_end2:
_tile_overlayer_lowered:
.L_overlay_start_2:
0x6f: {  	(tag) =	ssettag $0x2  }
0x70: {  	s0 =	rddreg [dreg:$0x0];
	s2 =	stileid.u32  }
0x71: {  	s1 =	rddreg [dreg:$0x1];
	p0 =	sne.s32 s2, $0x0  }
0x72: {  	s3 =	rddreg [dreg:$0x2];
	[bflag:$0x3] =	sbarrier.arrive $0xFFFF;
	s2 =	simm.s32 @!p0 $0x1C05  }
0x73: {  	[timem:s3], [sflag:s2] =	dma.local @!p0 [hbm:s0], s1  }
0x74: {  	s0 =	simm.s32 @!p0 $0x5  }
0x75: {  	_ =	swait.ge @!p0 [sflag:s0], s1  }
0x76: {  	s1 =	ssub.s32 @!p0 $0x0, s1;
	[sflag:s0] =	ssyncset.done @!p0 $0x0  }
0x77: {  	[sflag:s0] =	ssyncadd.s32 @!p0 s1  }
0x78: {  	[bflag:$0x3] =	sbarrier.arrive $0xFFFF  }
0x79: {  	_ =	shalt  }

</sc_bundles>
